<compile_context>
chip_gen: v7x
topology: tpu7x:2x2x1
jax: 0.10.2.dev20260603
libtpu: 0.0.44.dev20260713+nightly
codegen_flags: <defaults>
</compile_context>

<pallas_src>
import functools

import jax
import jax.numpy as jnp
from jax import lax
from jax.experimental import pallas as pl
from jax.experimental.pallas import tpu as pltpu
from jax.experimental.pallas import tpu_sc as plsc

NTOKEN = 100000
EMB_DIM = 64
BATCH = 4096
SEQ = 50

NC, NS = 2, 16
NW = NC * NS
BPW = BATCH // NW
SEQP = 56
CHUNK = 2 * SEQP
NCHUNK = BPW // 2
NBUF = 4
ROUNDS = NCHUNK // NBUF


def _embed2(x3, Wcat):
    mesh = plsc.VectorSubcoreMesh(core_axis_name="c", subcore_axis_name="s")

    @functools.partial(
        pl.kernel,
        mesh=mesh,
        out_type=jax.ShapeDtypeStruct((BATCH, SEQ, 2 * EMB_DIM), jnp.float32),
        scratch_types=[
            pltpu.VMEM((NCHUNK, CHUNK), jnp.int32),
            *[pltpu.VMEM((CHUNK, 2 * EMB_DIM), jnp.float32)
              for _ in range(NBUF)],
            *[pltpu.SemaphoreType.DMA for _ in range(3 * NBUF)],
        ],
    )
    def k(x_hbm, w_hbm, out_hbm, idx_v, *rest):
        combs = rest[:NBUF]
        sgs = rest[NBUF:2 * NBUF]
        so1 = rest[2 * NBUF:3 * NBUF]
        so2 = rest[3 * NBUF:]
        wid = lax.axis_index("s") * NC + lax.axis_index("c")
        b0 = wid * BPW
        pltpu.sync_copy(x_hbm.at[wid], idx_v)

        def gather(j, b):
            pltpu.async_copy(w_hbm.at[idx_v.at[j]], combs[b], sgs[b])

        def wait_gather(j, b):
            pltpu.make_async_copy(
                w_hbm.at[idx_v.at[j]], combs[b], sgs[b]).wait()

        def store(j, b):
            bb = b0 + 2 * j
            pltpu.async_copy(
                combs[b].at[pl.ds(0, SEQ)], out_hbm.at[bb], so1[b])
            pltpu.async_copy(
                combs[b].at[pl.ds(SEQP, SEQ)], out_hbm.at[bb + 1], so2[b])

        def wait_store(j, b):
            bb = b0 + 2 * j
            pltpu.make_async_copy(
                combs[b].at[pl.ds(0, SEQ)], out_hbm.at[bb], so1[b]).wait()
            pltpu.make_async_copy(
                combs[b].at[pl.ds(SEQP, SEQ)], out_hbm.at[bb + 1],
                so2[b]).wait()

        for b in range(NBUF):
            gather(b, b)

        def outer(r, carry):
            for b in range(NBUF):
                j = r * NBUF + b
                wait_gather(j, b)
                store(j, b)
            for b in range(NBUF):
                j = r * NBUF + b
                wait_store(j, b)
                gather(j + NBUF, b)
            return carry

        lax.fori_loop(0, ROUNDS - 1, outer, 0)

        last = (ROUNDS - 1) * NBUF
        for b in range(NBUF):
            wait_gather(last + b, b)
            store(last + b, b)
        for b in range(NBUF):
            wait_store(last + b, b)

    return k(x3, Wcat)


def kernel(x, W, W_):
    Wcat = jnp.concatenate([W, W_], axis=1)
    xi = x.astype(jnp.int32)
    xp = jnp.concatenate([xi, xi[:, :SEQP - SEQ]], axis=1)
    x3 = xp.reshape(NW, NCHUNK, CHUNK)
    return _embed2(x3, Wcat)

# --- scband reference (transcript-rebuilt; emitter-appended) ---
"""Pipeline reference for scband-word-embedding-16097537426127 (READ-ONLY COPY).

The authoritative reference and input builder live on the scoring server;
editing this copy changes nothing except your own understanding.
"""

import jax, jax.numpy as jnp
import numpy as np

NTOKEN = 100000
EMB_DIM = 64
BATCH = 4096
SEQ = 50


def setup_inputs(seed: int = 0) -> dict:
    key = jax.random.key(seed)
    k1, k2, k3 = jax.random.split(key, 3)
    # token indices in [0, NTOKEN); row NTOKEN is the padding row
    x = jax.random.randint(k1, (BATCH, SEQ), 0, NTOKEN)
    # trainable embedding table (ntoken + 1 rows, padding_idx = ntoken -> zero row)
    W = jax.random.normal(k2, (NTOKEN + 1, EMB_DIM), dtype=jnp.float32) * 0.02
    W = W.at[NTOKEN].set(0.0)
    # frozen second embedding table used by the 'c' (concat) op
    W_ = jax.random.normal(k3, (NTOKEN + 1, EMB_DIM), dtype=jnp.float32) * 0.02
    W_ = W_.at[NTOKEN].set(0.0)
    return {"x": x, "W": W, "W_": W_}


def reference(x, W, W_):
    # emb = self.emb(x)
    emb = jnp.take(W, x, axis=0)            # [B, L, D]
    # 'c' in op and x.ndim == 2 (< 3): concat along dim 2
    emb_c = jnp.take(W_, x, axis=0)         # [B, L, D]
    out = jnp.concatenate([emb, emb_c], axis=2)  # [B, L, 2D]
    # dropout is identity in eval mode
    return out

if __name__ == "__main__":
    import jax
    _d = setup_inputs()
    print(jax.jit(kernel)(*tuple(_d.values())))

</pallas_src>

<mosaic_0001>
#map = affine_map<(d0, d1) -> (0, 0, 0)>
#map1 = affine_map<(d0, d1) -> (0, 0)>
module attributes {stable_mosaic.version = 14 : i64} {
  func.func @k(%arg0: i32, %arg1: i32, %arg2: memref<32x64x112xi32, #tpu.memory_space<hbm>>, %arg3: memref<100001x128xf32, #tpu.memory_space<hbm>>, %arg4: memref<4096x50x128xf32, #tpu.memory_space<hbm>>, %arg5: memref<64x112xi32, #tpu.memory_space<vmem>>, %arg6: memref<112x128xf32, #tpu.memory_space<vmem>>, %arg7: memref<112x128xf32, #tpu.memory_space<vmem>>, %arg8: memref<112x128xf32, #tpu.memory_space<vmem>>, %arg9: memref<112x128xf32, #tpu.memory_space<vmem>>, %arg10: memref<!tpu.dma_semaphore, #tpu.memory_space<semaphore_mem>>, %arg11: memref<!tpu.dma_semaphore, #tpu.memory_space<semaphore_mem>>, %arg12: memref<!tpu.dma_semaphore, #tpu.memory_space<semaphore_mem>>, %arg13: memref<!tpu.dma_semaphore, #tpu.memory_space<semaphore_mem>>, %arg14: memref<!tpu.dma_semaphore, #tpu.memory_space<semaphore_mem>>, %arg15: memref<!tpu.dma_semaphore, #tpu.memory_space<semaphore_mem>>, %arg16: memref<!tpu.dma_semaphore, #tpu.memory_space<semaphore_mem>>, %arg17: memref<!tpu.dma_semaphore, #tpu.memory_space<semaphore_mem>>, %arg18: memref<!tpu.dma_semaphore, #tpu.memory_space<semaphore_mem>>, %arg19: memref<!tpu.dma_semaphore, #tpu.memory_space<semaphore_mem>>, %arg20: memref<!tpu.dma_semaphore, #tpu.memory_space<semaphore_mem>>, %arg21: memref<!tpu.dma_semaphore, #tpu.memory_space<semaphore_mem>>) attributes {dimension_semantics = [#tpu.dimension_semantics<core_parallel>, #tpu.dimension_semantics<subcore_parallel>], iteration_bounds = array<i64: 2, 16>, scalar_prefetch = 0 : i64, scratch_operands = 17 : i64, tpu.core_type = #tpu.core_type<sc_vector_subcore>, window_params = [{transform_indices = #map}, {transform_indices = #map1}, {transform_indices = #map}]} {
    %mul3A = arith.constant 2 : i32
    %mul3A_0 = arith.muli %arg1, %mul3A : i32
    %add3A = arith.addi %mul3A_0, %arg0 : i32
    %mul3A_1 = arith.constant 128 : i32
    %mul3A_2 = arith.muli %add3A, %mul3A_1 : i32
    "tpu.region"() ({
      %run_scoped3A = tpu.sem_alloc : memref<!tpu.dma_semaphore, #tpu.memory_space<semaphore_mem>>
      %dma_start3A_318 = arith.constant 0 : i32
      %dma_start3A_319 = arith.constant 0 : i32
      %dma_start3A_320 = tpu.memref_slice %arg2[%add3A, %dma_start3A_318, %dma_start3A_319] : memref<32x64x112xi32, #tpu.memory_space<hbm>> -> memref<1x64x112xi32, #tpu.memory_space<hbm>>
      %dma_start3A_321 = tpu.memref_squeeze %dma_start3A_320 : memref<1x64x112xi32, #tpu.memory_space<hbm>> -> memref<64x112xi32, #tpu.memory_space<hbm>>
      %dma_start3A_322 = arith.constant 0 : i32
      %dma_start3A_323 = arith.constant 0 : i32
      %dma_start3A_324 = tpu.memref_slice %arg2[%add3A, %dma_start3A_322, %dma_start3A_323] : memref<32x64x112xi32, #tpu.memory_space<hbm>> -> memref<1x64x112xi32, #tpu.memory_space<hbm>>
      %dma_start3A_325 = tpu.memref_squeeze %dma_start3A_324 : memref<1x64x112xi32, #tpu.memory_space<hbm>> -> memref<64x112xi32, #tpu.memory_space<hbm>>
      tpu.enqueue_dma source(%dma_start3A_325 : memref<64x112xi32, #tpu.memory_space<hbm>>) target(%arg5 : memref<64x112xi32, #tpu.memory_space<vmem>>) target_semaphore(%run_scoped3A : memref<!tpu.dma_semaphore, #tpu.memory_space<semaphore_mem>>)
      %dma_wait3A_326 = arith.constant 0 : i32
      %dma_wait3A_327 = arith.constant 0 : i32
      %dma_wait3A_328 = tpu.memref_slice %arg2[%add3A, %dma_wait3A_326, %dma_wait3A_327] : memref<32x64x112xi32, #tpu.memory_space<hbm>> -> memref<1x64x112xi32, #tpu.memory_space<hbm>>
      %dma_wait3A_329 = tpu.memref_squeeze %dma_wait3A_328 : memref<1x64x112xi32, #tpu.memory_space<hbm>> -> memref<64x112xi32, #tpu.memory_space<hbm>>
      %dma_wait3A_330 = arith.constant 0 : i32
      %dma_wait3A_331 = arith.constant 0 : i32
      %dma_wait3A_332 = tpu.memref_slice %arg2[%add3A, %dma_wait3A_330, %dma_wait3A_331] : memref<32x64x112xi32, #tpu.memory_space<hbm>> -> memref<1x64x112xi32, #tpu.memory_space<hbm>>
      %dma_wait3A_333 = tpu.memref_squeeze %dma_wait3A_332 : memref<1x64x112xi32, #tpu.memory_space<hbm>> -> memref<64x112xi32, #tpu.memory_space<hbm>>
      tpu.wait_dma2 semaphore(%run_scoped3A : memref<!tpu.dma_semaphore, #tpu.memory_space<semaphore_mem>>) src(%dma_wait3A_333 : memref<64x112xi32, #tpu.memory_space<hbm>>) dst(%arg5 : memref<64x112xi32, #tpu.memory_space<vmem>>)
      tpu.yield
    }) : () -> ()
    %dma_start3A = arith.constant 0 : i32
    %dma_start3A_3 = arith.constant 0 : i32
    %dma_start3A_4 = tpu.memref_slice %arg5[%dma_start3A, %dma_start3A_3] : memref<64x112xi32, #tpu.memory_space<vmem>> -> memref<1x112xi32, #tpu.memory_space<vmem>>
    %dma_start3A_5 = tpu.memref_squeeze %dma_start3A_4 : memref<1x112xi32, #tpu.memory_space<vmem>> -> memref<112xi32, #tpu.memory_space<vmem>>
    %dma_start3A_6 = arith.constant 0 : i32
    %dma_start3A_7 = arith.constant 0 : i32
    %dma_start3A_8 = tpu.memref_slice %arg3[%dma_start3A_6, %dma_start3A_7] : memref<100001x128xf32, #tpu.memory_space<hbm>> -> memref<100001x128xf32, #tpu.memory_space<hbm>>
    tpu.enqueue_indirect_dma source(%dma_start3A_8 : memref<100001x128xf32, #tpu.memory_space<hbm>>) target(%arg6 : memref<112x128xf32, #tpu.memory_space<vmem>>) offsets(%dma_start3A_5 : memref<112xi32, #tpu.memory_space<vmem>>) semaphore(%arg10 : memref<!tpu.dma_semaphore, #tpu.memory_space<semaphore_mem>>)
    %dma_start3A_9 = arith.constant 1 : i32
    %dma_start3A_10 = arith.constant 0 : i32
    %dma_start3A_11 = tpu.memref_slice %arg5[%dma_start3A_9, %dma_start3A_10] : memref<64x112xi32, #tpu.memory_space<vmem>> -> memref<1x112xi32, #tpu.memory_space<vmem>>
    %dma_start3A_12 = tpu.memref_squeeze %dma_start3A_11 : memref<1x112xi32, #tpu.memory_space<vmem>> -> memref<112xi32, #tpu.memory_space<vmem>>
    %dma_start3A_13 = arith.constant 0 : i32
    %dma_start3A_14 = arith.constant 0 : i32
    %dma_start3A_15 = tpu.memref_slice %arg3[%dma_start3A_13, %dma_start3A_14] : memref<100001x128xf32, #tpu.memory_space<hbm>> -> memref<100001x128xf32, #tpu.memory_space<hbm>>
    tpu.enqueue_indirect_dma source(%dma_start3A_15 : memref<100001x128xf32, #tpu.memory_space<hbm>>) target(%arg7 : memref<112x128xf32, #tpu.memory_space<vmem>>) offsets(%dma_start3A_12 : memref<112xi32, #tpu.memory_space<vmem>>) semaphore(%arg11 : memref<!tpu.dma_semaphore, #tpu.memory_space<semaphore_mem>>)
    %dma_start3A_16 = arith.constant 2 : i32
    %dma_start3A_17 = arith.constant 0 : i32
    %dma_start3A_18 = tpu.memref_slice %arg5[%dma_start3A_16, %dma_start3A_17] : memref<64x112xi32, #tpu.memory_space<vmem>> -> memref<1x112xi32, #tpu.memory_space<vmem>>
    %dma_start3A_19 = tpu.memref_squeeze %dma_start3A_18 : memref<1x112xi32, #tpu.memory_space<vmem>> -> memref<112xi32, #tpu.memory_space<vmem>>
    %dma_start3A_20 = arith.constant 0 : i32
    %dma_start3A_21 = arith.constant 0 : i32
    %dma_start3A_22 = tpu.memref_slice %arg3[%dma_start3A_20, %dma_start3A_21] : memref<100001x128xf32, #tpu.memory_space<hbm>> -> memref<100001x128xf32, #tpu.memory_space<hbm>>
    tpu.enqueue_indirect_dma source(%dma_start3A_22 : memref<100001x128xf32, #tpu.memory_space<hbm>>) target(%arg8 : memref<112x128xf32, #tpu.memory_space<vmem>>) offsets(%dma_start3A_19 : memref<112xi32, #tpu.memory_space<vmem>>) semaphore(%arg12 : memref<!tpu.dma_semaphore, #tpu.memory_space<semaphore_mem>>)
    %dma_start3A_23 = arith.constant 3 : i32
    %dma_start3A_24 = arith.constant 0 : i32
    %dma_start3A_25 = tpu.memref_slice %arg5[%dma_start3A_23, %dma_start3A_24] : memref<64x112xi32, #tpu.memory_space<vmem>> -> memref<1x112xi32, #tpu.memory_space<vmem>>
    %dma_start3A_26 = tpu.memref_squeeze %dma_start3A_25 : memref<1x112xi32, #tpu.memory_space<vmem>> -> memref<112xi32, #tpu.memory_space<vmem>>
    %dma_start3A_27 = arith.constant 0 : i32
    %dma_start3A_28 = arith.constant 0 : i32
    %dma_start3A_29 = tpu.memref_slice %arg3[%dma_start3A_27, %dma_start3A_28] : memref<100001x128xf32, #tpu.memory_space<hbm>> -> memref<100001x128xf32, #tpu.memory_space<hbm>>
    tpu.enqueue_indirect_dma source(%dma_start3A_29 : memref<100001x128xf32, #tpu.memory_space<hbm>>) target(%arg9 : memref<112x128xf32, #tpu.memory_space<vmem>>) offsets(%dma_start3A_26 : memref<112xi32, #tpu.memory_space<vmem>>) semaphore(%arg13 : memref<!tpu.dma_semaphore, #tpu.memory_space<semaphore_mem>>)
    %scan3A = arith.constant 0 : i32
    %scan3A_30 = arith.constant 0 : i32
    %scan3A_31 = arith.constant 15 : i32
    %scan3A_32 = arith.addi %scan3A_30, %scan3A_31 : i32
    %scan3A_33 = arith.constant 1 : i32
    scf.for %scan3A_318 = %scan3A_30 to %scan3A_32 step %scan3A_33  : i32 {
      %mul3A_319 = arith.constant 4 : i32
      %mul3A_320 = arith.muli %scan3A_318, %mul3A_319 : i32
      %add3A_321 = arith.constant 0 : i32
      %add3A_322 = arith.addi %mul3A_320, %add3A_321 : i32
      %dma_wait3A_323 = arith.constant 0 : i32
      %dma_wait3A_324 = tpu.memref_slice %arg5[%add3A_322, %dma_wait3A_323] : memref<64x112xi32, #tpu.memory_space<vmem>> -> memref<1x112xi32, #tpu.memory_space<vmem>>
      %dma_wait3A_325 = tpu.memref_squeeze %dma_wait3A_324 : memref<1x112xi32, #tpu.memory_space<vmem>> -> memref<112xi32, #tpu.memory_space<vmem>>
      %dma_wait3A_326 = arith.constant 0 : i32
      %dma_wait3A_327 = arith.constant 0 : i32
      %dma_wait3A_328 = tpu.memref_slice %arg3[%dma_wait3A_326, %dma_wait3A_327] : memref<100001x128xf32, #tpu.memory_space<hbm>> -> memref<100001x128xf32, #tpu.memory_space<hbm>>
      tpu.wait_indirect_dma semaphore(%arg10 : memref<!tpu.dma_semaphore, #tpu.memory_space<semaphore_mem>>) src(%dma_wait3A_328 : memref<100001x128xf32, #tpu.memory_space<hbm>>) dst(%arg6 : memref<112x128xf32, #tpu.memory_space<vmem>>)
      %mul3A_329 = arith.constant 2 : i32
      %mul3A_330 = arith.muli %mul3A_329, %add3A_322 : i32
      %add3A_331 = arith.addi %mul3A_2, %mul3A_330 : i32
      %dma_start3A_332 = arith.constant 0 : i32
      %dma_start3A_333 = arith.constant 0 : i32
      %dma_start3A_334 = tpu.memref_slice %arg6[%dma_start3A_332, %dma_start3A_333] : memref<112x128xf32, #tpu.memory_space<vmem>> -> memref<50x128xf32, #tpu.memory_space<vmem>>
      %dma_start3A_335 = arith.constant 0 : i32
      %dma_start3A_336 = arith.constant 0 : i32
      %dma_start3A_337 = tpu.memref_slice %arg4[%add3A_331, %dma_start3A_335, %dma_start3A_336] : memref<4096x50x128xf32, #tpu.memory_space<hbm>> -> memref<1x50x128xf32, #tpu.memory_space<hbm>>
      %dma_start3A_338 = tpu.memref_squeeze %dma_start3A_337 : memref<1x50x128xf32, #tpu.memory_space<hbm>> -> memref<50x128xf32, #tpu.memory_space<hbm>>
      %dma_start3A_339 = arith.constant 0 : i32
      %dma_start3A_340 = arith.constant 0 : i32
      %dma_start3A_341 = tpu.memref_slice %arg4[%add3A_331, %dma_start3A_339, %dma_start3A_340] : memref<4096x50x128xf32, #tpu.memory_space<hbm>> -> memref<1x50x128xf32, #tpu.memory_space<hbm>>
      %dma_start3A_342 = tpu.memref_squeeze %dma_start3A_341 : memref<1x50x128xf32, #tpu.memory_space<hbm>> -> memref<50x128xf32, #tpu.memory_space<hbm>>
      %dma_start3A_343 = arith.constant 0 : i32
      %dma_start3A_344 = arith.constant 0 : i32
      %dma_start3A_345 = tpu.memref_slice %arg6[%dma_start3A_343, %dma_start3A_344] : memref<112x128xf32, #tpu.memory_space<vmem>> -> memref<50x128xf32, #tpu.memory_space<vmem>>
      tpu.enqueue_dma source(%dma_start3A_345 : memref<50x128xf32, #tpu.memory_space<vmem>>) target(%dma_start3A_342 : memref<50x128xf32, #tpu.memory_space<hbm>>) target_semaphore(%arg14 : memref<!tpu.dma_semaphore, #tpu.memory_space<semaphore_mem>>)
      %add3A_346 = arith.constant 1 : i32
      %add3A_347 = arith.addi %add3A_331, %add3A_346 : i32
      %dma_start3A_348 = arith.constant 56 : i32
      %dma_start3A_349 = arith.constant 0 : i32
      %dma_start3A_350 = tpu.memref_slice %arg6[%dma_start3A_348, %dma_start3A_349] : memref<112x128xf32, #tpu.memory_space<vmem>> -> memref<50x128xf32, #tpu.memory_space<vmem>>
      %dma_start3A_351 = arith.constant 0 : i32
      %dma_start3A_352 = arith.constant 0 : i32
      %dma_start3A_353 = tpu.memref_slice %arg4[%add3A_347, %dma_start3A_351, %dma_start3A_352] : memref<4096x50x128xf32, #tpu.memory_space<hbm>> -> memref<1x50x128xf32, #tpu.memory_space<hbm>>
      %dma_start3A_354 = tpu.memref_squeeze %dma_start3A_353 : memref<1x50x128xf32, #tpu.memory_space<hbm>> -> memref<50x128xf32, #tpu.memory_space<hbm>>
      %dma_start3A_355 = arith.constant 0 : i32
      %dma_start3A_356 = arith.constant 0 : i32
      %dma_start3A_357 = tpu.memref_slice %arg4[%add3A_347, %dma_start3A_355, %dma_start3A_356] : memref<4096x50x128xf32, #tpu.memory_space<hbm>> -> memref<1x50x128xf32, #tpu.memory_space<hbm>>
      %dma_start3A_358 = tpu.memref_squeeze %dma_start3A_357 : memref<1x50x128xf32, #tpu.memory_space<hbm>> -> memref<50x128xf32, #tpu.memory_space<hbm>>
      %dma_start3A_359 = arith.constant 56 : i32
      %dma_start3A_360 = arith.constant 0 : i32
      %dma_start3A_361 = tpu.memref_slice %arg6[%dma_start3A_359, %dma_start3A_360] : memref<112x128xf32, #tpu.memory_space<vmem>> -> memref<50x128xf32, #tpu.memory_space<vmem>>
      tpu.enqueue_dma source(%dma_start3A_361 : memref<50x128xf32, #tpu.memory_space<vmem>>) target(%dma_start3A_358 : memref<50x128xf32, #tpu.memory_space<hbm>>) target_semaphore(%arg18 : memref<!tpu.dma_semaphore, #tpu.memory_space<semaphore_mem>>)
      %mul3A_362 = arith.constant 4 : i32
      %mul3A_363 = arith.muli %scan3A_318, %mul3A_362 : i32
      %add3A_364 = arith.constant 1 : i32
      %add3A_365 = arith.addi %mul3A_363, %add3A_364 : i32
      %dma_wait3A_366 = arith.constant 0 : i32
      %dma_wait3A_367 = tpu.memref_slice %arg5[%add3A_365, %dma_wait3A_366] : memref<64x112xi32, #tpu.memory_space<vmem>> -> memref<1x112xi32, #tpu.memory_space<vmem>>
      %dma_wait3A_368 = tpu.memref_squeeze %dma_wait3A_367 : memref<1x112xi32, #tpu.memory_space<vmem>> -> memref<112xi32, #tpu.memory_space<vmem>>
      %dma_wait3A_369 = arith.constant 0 : i32
      %dma_wait3A_370 = arith.constant 0 : i32
      %dma_wait3A_371 = tpu.memref_slice %arg3[%dma_wait3A_369, %dma_wait3A_370] : memref<100001x128xf32, #tpu.memory_space<hbm>> -> memref<100001x128xf32, #tpu.memory_space<hbm>>
      tpu.wait_indirect_dma semaphore(%arg11 : memref<!tpu.dma_semaphore, #tpu.memory_space<semaphore_mem>>) src(%dma_wait3A_371 : memref<100001x128xf32, #tpu.memory_space<hbm>>) dst(%arg7 : memref<112x128xf32, #tpu.memory_space<vmem>>)
      %mul3A_372 = arith.constant 2 : i32
      %mul3A_373 = arith.muli %mul3A_372, %add3A_365 : i32
      %add3A_374 = arith.addi %mul3A_2, %mul3A_373 : i32
      %dma_start3A_375 = arith.constant 0 : i32
      %dma_start3A_376 = arith.constant 0 : i32
      %dma_start3A_377 = tpu.memref_slice %arg7[%dma_start3A_375, %dma_start3A_376] : memref<112x128xf32, #tpu.memory_space<vmem>> -> memref<50x128xf32, #tpu.memory_space<vmem>>
      %dma_start3A_378 = arith.constant 0 : i32
      %dma_start3A_379 = arith.constant 0 : i32
      %dma_start3A_380 = tpu.memref_slice %arg4[%add3A_374, %dma_start3A_378, %dma_start3A_379] : memref<4096x50x128xf32, #tpu.memory_space<hbm>> -> memref<1x50x128xf32, #tpu.memory_space<hbm>>
      %dma_start3A_381 = tpu.memref_squeeze %dma_start3A_380 : memref<1x50x128xf32, #tpu.memory_space<hbm>> -> memref<50x128xf32, #tpu.memory_space<hbm>>
      %dma_start3A_382 = arith.constant 0 : i32
      %dma_start3A_383 = arith.constant 0 : i32
      %dma_start3A_384 = tpu.memref_slice %arg4[%add3A_374, %dma_start3A_382, %dma_start3A_383] : memref<4096x50x128xf32, #tpu.memory_space<hbm>> -> memref<1x50x128xf32, #tpu.memory_space<hbm>>
      %dma_start3A_385 = tpu.memref_squeeze %dma_start3A_384 : memref<1x50x128xf32, #tpu.memory_space<hbm>> -> memref<50x128xf32, #tpu.memory_space<hbm>>
      %dma_start3A_386 = arith.constant 0 : i32
      %dma_start3A_387 = arith.constant 0 : i32
      %dma_start3A_388 = tpu.memref_slice %arg7[%dma_start3A_386, %dma_start3A_387] : memref<112x128xf32, #tpu.memory_space<vmem>> -> memref<50x128xf32, #tpu.memory_space<vmem>>
      tpu.enqueue_dma source(%dma_start3A_388 : memref<50x128xf32, #tpu.memory_space<vmem>>) target(%dma_start3A_385 : memref<50x128xf32, #tpu.memory_space<hbm>>) target_semaphore(%arg15 : memref<!tpu.dma_semaphore, #tpu.memory_space<semaphore_mem>>)
      %add3A_389 = arith.constant 1 : i32
      %add3A_390 = arith.addi %add3A_374, %add3A_389 : i32
      %dma_start3A_391 = arith.constant 56 : i32
      %dma_start3A_392 = arith.constant 0 : i32
      %dma_start3A_393 = tpu.memref_slice %arg7[%dma_start3A_391, %dma_start3A_392] : memref<112x128xf32, #tpu.memory_space<vmem>> -> memref<50x128xf32, #tpu.memory_space<vmem>>
      %dma_start3A_394 = arith.constant 0 : i32
      %dma_start3A_395 = arith.constant 0 : i32
      %dma_start3A_396 = tpu.memref_slice %arg4[%add3A_390, %dma_start3A_394, %dma_start3A_395] : memref<4096x50x128xf32, #tpu.memory_space<hbm>> -> memref<1x50x128xf32, #tpu.memory_space<hbm>>
      %dma_start3A_397 = tpu.memref_squeeze %dma_start3A_396 : memref<1x50x128xf32, #tpu.memory_space<hbm>> -> memref<50x128xf32, #tpu.memory_space<hbm>>
      %dma_start3A_398 = arith.constant 0 : i32
      %dma_start3A_399 = arith.constant 0 : i32
      %dma_start3A_400 = tpu.memref_slice %arg4[%add3A_390, %dma_start3A_398, %dma_start3A_399] : memref<4096x50x128xf32, #tpu.memory_space<hbm>> -> memref<1x50x128xf32, #tpu.memory_space<hbm>>
      %dma_start3A_401 = tpu.memref_squeeze %dma_start3A_400 : memref<1x50x128xf32, #tpu.memory_space<hbm>> -> memref<50x128xf32, #tpu.memory_space<hbm>>
      %dma_start3A_402 = arith.constant 56 : i32
      %dma_start3A_403 = arith.constant 0 : i32
      %dma_start3A_404 = tpu.memref_slice %arg7[%dma_start3A_402, %dma_start3A_403] : memref<112x128xf32, #tpu.memory_space<vmem>> -> memref<50x128xf32, #tpu.memory_space<vmem>>
      tpu.enqueue_dma source(%dma_start3A_404 : memref<50x128xf32, #tpu.memory_space<vmem>>) target(%dma_start3A_401 : memref<50x128xf32, #tpu.memory_space<hbm>>) target_semaphore(%arg19 : memref<!tpu.dma_semaphore, #tpu.memory_space<semaphore_mem>>)
      %mul3A_405 = arith.constant 4 : i32
      %mul3A_406 = arith.muli %scan3A_318, %mul3A_405 : i32
      %add3A_407 = arith.constant 2 : i32
      %add3A_408 = arith.addi %mul3A_406, %add3A_407 : i32
      %dma_wait3A_409 = arith.constant 0 : i32
      %dma_wait3A_410 = tpu.memref_slice %arg5[%add3A_408, %dma_wait3A_409] : memref<64x112xi32, #tpu.memory_space<vmem>> -> memref<1x112xi32, #tpu.memory_space<vmem>>
      %dma_wait3A_411 = tpu.memref_squeeze %dma_wait3A_410 : memref<1x112xi32, #tpu.memory_space<vmem>> -> memref<112xi32, #tpu.memory_space<vmem>>
      %dma_wait3A_412 = arith.constant 0 : i32
      %dma_wait3A_413 = arith.constant 0 : i32
      %dma_wait3A_414 = tpu.memref_slice %arg3[%dma_wait3A_412, %dma_wait3A_413] : memref<100001x128xf32, #tpu.memory_space<hbm>> -> memref<100001x128xf32, #tpu.memory_space<hbm>>
      tpu.wait_indirect_dma semaphore(%arg12 : memref<!tpu.dma_semaphore, #tpu.memory_space<semaphore_mem>>) src(%dma_wait3A_414 : memref<100001x128xf32, #tpu.memory_space<hbm>>) dst(%arg8 : memref<112x128xf32, #tpu.memory_space<vmem>>)
      %mul3A_415 = arith.constant 2 : i32
      %mul3A_416 = arith.muli %mul3A_415, %add3A_408 : i32
      %add3A_417 = arith.addi %mul3A_2, %mul3A_416 : i32
      %dma_start3A_418 = arith.constant 0 : i32
      %dma_start3A_419 = arith.constant 0 : i32
      %dma_start3A_420 = tpu.memref_slice %arg8[%dma_start3A_418, %dma_start3A_419] : memref<112x128xf32, #tpu.memory_space<vmem>> -> memref<50x128xf32, #tpu.memory_space<vmem>>
      %dma_start3A_421 = arith.constant 0 : i32
      %dma_start3A_422 = arith.constant 0 : i32
      %dma_start3A_423 = tpu.memref_slice %arg4[%add3A_417, %dma_start3A_421, %dma_start3A_422] : memref<4096x50x128xf32, #tpu.memory_space<hbm>> -> memref<1x50x128xf32, #tpu.memory_space<hbm>>
      %dma_start3A_424 = tpu.memref_squeeze %dma_start3A_423 : memref<1x50x128xf32, #tpu.memory_space<hbm>> -> memref<50x128xf32, #tpu.memory_space<hbm>>
      %dma_start3A_425 = arith.constant 0 : i32
      %dma_start3A_426 = arith.constant 0 : i32
      %dma_start3A_427 = tpu.memref_slice %arg4[%add3A_417, %dma_start3A_425, %dma_start3A_426] : memref<4096x50x128xf32, #tpu.memory_space<hbm>> -> memref<1x50x128xf32, #tpu.memory_space<hbm>>
      %dma_start3A_428 = tpu.memref_squeeze %dma_start3A_427 : memref<1x50x128xf32, #tpu.memory_space<hbm>> -> memref<50x128xf32, #tpu.memory_space<hbm>>
      %dma_start3A_429 = arith.constant 0 : i32
      %dma_start3A_430 = arith.constant 0 : i32
      %dma_start3A_431 = tpu.memref_slice %arg8[%dma_start3A_429, %dma_start3A_430] : memref<112x128xf32, #tpu.memory_space<vmem>> -> memref<50x128xf32, #tpu.memory_space<vmem>>
      tpu.enqueue_dma source(%dma_start3A_431 : memref<50x128xf32, #tpu.memory_space<vmem>>) target(%dma_start3A_428 : memref<50x128xf32, #tpu.memory_space<hbm>>) target_semaphore(%arg16 : memref<!tpu.dma_semaphore, #tpu.memory_space<semaphore_mem>>)
      %add3A_432 = arith.constant 1 : i32
      %add3A_433 = arith.addi %add3A_417, %add3A_432 : i32
      %dma_start3A_434 = arith.constant 56 : i32
      %dma_start3A_435 = arith.constant 0 : i32
      %dma_start3A_436 = tpu.memref_slice %arg8[%dma_start3A_434, %dma_start3A_435] : memref<112x128xf32, #tpu.memory_space<vmem>> -> memref<50x128xf32, #tpu.memory_space<vmem>>
      %dma_start3A_437 = arith.constant 0 : i32
      %dma_start3A_438 = arith.constant 0 : i32
      %dma_start3A_439 = tpu.memref_slice %arg4[%add3A_433, %dma_start3A_437, %dma_start3A_438] : memref<4096x50x128xf32, #tpu.memory_space<hbm>> -> memref<1x50x128xf32, #tpu.memory_space<hbm>>
      %dma_start3A_440 = tpu.memref_squeeze %dma_start3A_439 : memref<1x50x128xf32, #tpu.memory_space<hbm>> -> memref<50x128xf32, #tpu.memory_space<hbm>>
      %dma_start3A_441 = arith.constant 0 : i32
      %dma_start3A_442 = arith.constant 0 : i32
      %dma_start3A_443 = tpu.memref_slice %arg4[%add3A_433, %dma_start3A_441, %dma_start3A_442] : memref<4096x50x128xf32, #tpu.memory_space<hbm>> -> memref<1x50x128xf32, #tpu.memory_space<hbm>>
      %dma_start3A_444 = tpu.memref_squeeze %dma_start3A_443 : memref<1x50x128xf32, #tpu.memory_space<hbm>> -> memref<50x128xf32, #tpu.memory_space<hbm>>
      %dma_start3A_445 = arith.constant 56 : i32
      %dma_start3A_446 = arith.constant 0 : i32
      %dma_start3A_447 = tpu.memref_slice %arg8[%dma_start3A_445, %dma_start3A_446] : memref<112x128xf32, #tpu.memory_space<vmem>> -> memref<50x128xf32, #tpu.memory_space<vmem>>
      tpu.enqueue_dma source(%dma_start3A_447 : memref<50x128xf32, #tpu.memory_space<vmem>>) target(%dma_start3A_444 : memref<50x128xf32, #tpu.memory_space<hbm>>) target_semaphore(%arg20 : memref<!tpu.dma_semaphore, #tpu.memory_space<semaphore_mem>>)
      %mul3A_448 = arith.constant 4 : i32
      %mul3A_449 = arith.muli %scan3A_318, %mul3A_448 : i32
      %add3A_450 = arith.constant 3 : i32
      %add3A_451 = arith.addi %mul3A_449, %add3A_450 : i32
      %dma_wait3A_452 = arith.constant 0 : i32
      %dma_wait3A_453 = tpu.memref_slice %arg5[%add3A_451, %dma_wait3A_452] : memref<64x112xi32, #tpu.memory_space<vmem>> -> memref<1x112xi32, #tpu.memory_space<vmem>>
      %dma_wait3A_454 = tpu.memref_squeeze %dma_wait3A_453 : memref<1x112xi32, #tpu.memory_space<vmem>> -> memref<112xi32, #tpu.memory_space<vmem>>
      %dma_wait3A_455 = arith.constant 0 : i32
      %dma_wait3A_456 = arith.constant 0 : i32
      %dma_wait3A_457 = tpu.memref_slice %arg3[%dma_wait3A_455, %dma_wait3A_456] : memref<100001x128xf32, #tpu.memory_space<hbm>> -> memref<100001x128xf32, #tpu.memory_space<hbm>>
      tpu.wait_indirect_dma semaphore(%arg13 : memref<!tpu.dma_semaphore, #tpu.memory_space<semaphore_mem>>) src(%dma_wait3A_457 : memref<100001x128xf32, #tpu.memory_space<hbm>>) dst(%arg9 : memref<112x128xf32, #tpu.memory_space<vmem>>)
      %mul3A_458 = arith.constant 2 : i32
      %mul3A_459 = arith.muli %mul3A_458, %add3A_451 : i32
      %add3A_460 = arith.addi %mul3A_2, %mul3A_459 : i32
      %dma_start3A_461 = arith.constant 0 : i32
      %dma_start3A_462 = arith.constant 0 : i32
      %dma_start3A_463 = tpu.memref_slice %arg9[%dma_start3A_461, %dma_start3A_462] : memref<112x128xf32, #tpu.memory_space<vmem>> -> memref<50x128xf32, #tpu.memory_space<vmem>>
      %dma_start3A_464 = arith.constant 0 : i32
      %dma_start3A_465 = arith.constant 0 : i32
      %dma_start3A_466 = tpu.memref_slice %arg4[%add3A_460, %dma_start3A_464, %dma_start3A_465] : memref<4096x50x128xf32, #tpu.memory_space<hbm>> -> memref<1x50x128xf32, #tpu.memory_space<hbm>>
      %dma_start3A_467 = tpu.memref_squeeze %dma_start3A_466 : memref<1x50x128xf32, #tpu.memory_space<hbm>> -> memref<50x128xf32, #tpu.memory_space<hbm>>
      %dma_start3A_468 = arith.constant 0 : i32
      %dma_start3A_469 = arith.constant 0 : i32
      %dma_start3A_470 = tpu.memref_slice %arg4[%add3A_460, %dma_start3A_468, %dma_start3A_469] : memref<4096x50x128xf32, #tpu.memory_space<hbm>> -> memref<1x50x128xf32, #tpu.memory_space<hbm>>
      %dma_start3A_471 = tpu.memref_squeeze %dma_start3A_470 : memref<1x50x128xf32, #tpu.memory_space<hbm>> -> memref<50x128xf32, #tpu.memory_space<hbm>>
      %dma_start3A_472 = arith.constant 0 : i32
      %dma_start3A_473 = arith.constant 0 : i32
      %dma_start3A_474 = tpu.memref_slice %arg9[%dma_start3A_472, %dma_start3A_473] : memref<112x128xf32, #tpu.memory_space<vmem>> -> memref<50x128xf32, #tpu.memory_space<vmem>>
      tpu.enqueue_dma source(%dma_start3A_474 : memref<50x128xf32, #tpu.memory_space<vmem>>) target(%dma_start3A_471 : memref<50x128xf32, #tpu.memory_space<hbm>>) target_semaphore(%arg17 : memref<!tpu.dma_semaphore, #tpu.memory_space<semaphore_mem>>)
      %add3A_475 = arith.constant 1 : i32
      %add3A_476 = arith.addi %add3A_460, %add3A_475 : i32
      %dma_start3A_477 = arith.constant 56 : i32
      %dma_start3A_478 = arith.constant 0 : i32
      %dma_start3A_479 = tpu.memref_slice %arg9[%dma_start3A_477, %dma_start3A_478] : memref<112x128xf32, #tpu.memory_space<vmem>> -> memref<50x128xf32, #tpu.memory_space<vmem>>
      %dma_start3A_480 = arith.constant 0 : i32
      %dma_start3A_481 = arith.constant 0 : i32
      %dma_start3A_482 = tpu.memref_slice %arg4[%add3A_476, %dma_start3A_480, %dma_start3A_481] : memref<4096x50x128xf32, #tpu.memory_space<hbm>> -> memref<1x50x128xf32, #tpu.memory_space<hbm>>
      %dma_start3A_483 = tpu.memref_squeeze %dma_start3A_482 : memref<1x50x128xf32, #tpu.memory_space<hbm>> -> memref<50x128xf32, #tpu.memory_space<hbm>>
      %dma_start3A_484 = arith.constant 0 : i32
      %dma_start3A_485 = arith.constant 0 : i32
      %dma_start3A_486 = tpu.memref_slice %arg4[%add3A_476, %dma_start3A_484, %dma_start3A_485] : memref<4096x50x128xf32, #tpu.memory_space<hbm>> -> memref<1x50x128xf32, #tpu.memory_space<hbm>>
      %dma_start3A_487 = tpu.memref_squeeze %dma_start3A_486 : memref<1x50x128xf32, #tpu.memory_space<hbm>> -> memref<50x128xf32, #tpu.memory_space<hbm>>
      %dma_start3A_488 = arith.constant 56 : i32
      %dma_start3A_489 = arith.constant 0 : i32
      %dma_start3A_490 = tpu.memref_slice %arg9[%dma_start3A_488, %dma_start3A_489] : memref<112x128xf32, #tpu.memory_space<vmem>> -> memref<50x128xf32, #tpu.memory_space<vmem>>
      tpu.enqueue_dma source(%dma_start3A_490 : memref<50x128xf32, #tpu.memory_space<vmem>>) target(%dma_start3A_487 : memref<50x128xf32, #tpu.memory_space<hbm>>) target_semaphore(%arg21 : memref<!tpu.dma_semaphore, #tpu.memory_space<semaphore_mem>>)
      %mul3A_491 = arith.constant 4 : i32
      %mul3A_492 = arith.muli %scan3A_318, %mul3A_491 : i32
      %add3A_493 = arith.constant 0 : i32
      %add3A_494 = arith.addi %mul3A_492, %add3A_493 : i32
      %mul3A_495 = arith.constant 2 : i32
      %mul3A_496 = arith.muli %mul3A_495, %add3A_494 : i32
      %add3A_497 = arith.addi %mul3A_2, %mul3A_496 : i32
      %dma_wait3A_498 = arith.constant 0 : i32
      %dma_wait3A_499 = arith.constant 0 : i32
      %dma_wait3A_500 = tpu.memref_slice %arg6[%dma_wait3A_498, %dma_wait3A_499] : memref<112x128xf32, #tpu.memory_space<vmem>> -> memref<50x128xf32, #tpu.memory_space<vmem>>
      %dma_wait3A_501 = arith.constant 0 : i32
      %dma_wait3A_502 = arith.constant 0 : i32
      %dma_wait3A_503 = tpu.memref_slice %arg4[%add3A_497, %dma_wait3A_501, %dma_wait3A_502] : memref<4096x50x128xf32, #tpu.memory_space<hbm>> -> memref<1x50x128xf32, #tpu.memory_space<hbm>>
      %dma_wait3A_504 = tpu.memref_squeeze %dma_wait3A_503 : memref<1x50x128xf32, #tpu.memory_space<hbm>> -> memref<50x128xf32, #tpu.memory_space<hbm>>
      %dma_wait3A_505 = arith.constant 0 : i32
      %dma_wait3A_506 = arith.constant 0 : i32
      %dma_wait3A_507 = tpu.memref_slice %arg4[%add3A_497, %dma_wait3A_505, %dma_wait3A_506] : memref<4096x50x128xf32, #tpu.memory_space<hbm>> -> memref<1x50x128xf32, #tpu.memory_space<hbm>>
      %dma_wait3A_508 = tpu.memref_squeeze %dma_wait3A_507 : memref<1x50x128xf32, #tpu.memory_space<hbm>> -> memref<50x128xf32, #tpu.memory_space<hbm>>
      %dma_wait3A_509 = arith.constant 0 : i32
      %dma_wait3A_510 = arith.constant 0 : i32
      %dma_wait3A_511 = tpu.memref_slice %arg6[%dma_wait3A_509, %dma_wait3A_510] : memref<112x128xf32, #tpu.memory_space<vmem>> -> memref<50x128xf32, #tpu.memory_space<vmem>>
      tpu.wait_dma2 semaphore(%arg14 : memref<!tpu.dma_semaphore, #tpu.memory_space<semaphore_mem>>) src(%dma_wait3A_511 : memref<50x128xf32, #tpu.memory_space<vmem>>) dst(%dma_wait3A_508 : memref<50x128xf32, #tpu.memory_space<hbm>>)
      %add3A_512 = arith.constant 1 : i32
      %add3A_513 = arith.addi %add3A_497, %add3A_512 : i32
      %dma_wait3A_514 = arith.constant 56 : i32
      %dma_wait3A_515 = arith.constant 0 : i32
      %dma_wait3A_516 = tpu.memref_slice %arg6[%dma_wait3A_514, %dma_wait3A_515] : memref<112x128xf32, #tpu.memory_space<vmem>> -> memref<50x128xf32, #tpu.memory_space<vmem>>
      %dma_wait3A_517 = arith.constant 0 : i32
      %dma_wait3A_518 = arith.constant 0 : i32
      %dma_wait3A_519 = tpu.memref_slice %arg4[%add3A_513, %dma_wait3A_517, %dma_wait3A_518] : memref<4096x50x128xf32, #tpu.memory_space<hbm>> -> memref<1x50x128xf32, #tpu.memory_space<hbm>>
      %dma_wait3A_520 = tpu.memref_squeeze %dma_wait3A_519 : memref<1x50x128xf32, #tpu.memory_space<hbm>> -> memref<50x128xf32, #tpu.memory_space<hbm>>
      %dma_wait3A_521 = arith.constant 0 : i32
      %dma_wait3A_522 = arith.constant 0 : i32
      %dma_wait3A_523 = tpu.memref_slice %arg4[%add3A_513, %dma_wait3A_521, %dma_wait3A_522] : memref<4096x50x128xf32, #tpu.memory_space<hbm>> -> memref<1x50x128xf32, #tpu.memory_space<hbm>>
      %dma_wait3A_524 = tpu.memref_squeeze %dma_wait3A_523 : memref<1x50x128xf32, #tpu.memory_space<hbm>> -> memref<50x128xf32, #tpu.memory_space<hbm>>
      %dma_wait3A_525 = arith.constant 56 : i32
      %dma_wait3A_526 = arith.constant 0 : i32
      %dma_wait3A_527 = tpu.memref_slice %arg6[%dma_wait3A_525, %dma_wait3A_526] : memref<112x128xf32, #tpu.memory_space<vmem>> -> memref<50x128xf32, #tpu.memory_space<vmem>>
      tpu.wait_dma2 semaphore(%arg18 : memref<!tpu.dma_semaphore, #tpu.memory_space<semaphore_mem>>) src(%dma_wait3A_527 : memref<50x128xf32, #tpu.memory_space<vmem>>) dst(%dma_wait3A_524 : memref<50x128xf32, #tpu.memory_space<hbm>>)
      %add3A_528 = arith.constant 4 : i32
      %add3A_529 = arith.addi %add3A_494, %add3A_528 : i32
      %dma_start3A_530 = arith.constant 0 : i32
      %dma_start3A_531 = tpu.memref_slice %arg5[%add3A_529, %dma_start3A_530] : memref<64x112xi32, #tpu.memory_space<vmem>> -> memref<1x112xi32, #tpu.memory_space<vmem>>
      %dma_start3A_532 = tpu.memref_squeeze %dma_start3A_531 : memref<1x112xi32, #tpu.memory_space<vmem>> -> memref<112xi32, #tpu.memory_space<vmem>>
      %dma_start3A_533 = arith.constant 0 : i32
      %dma_start3A_534 = arith.constant 0 : i32
      %dma_start3A_535 = tpu.memref_slice %arg3[%dma_start3A_533, %dma_start3A_534] : memref<100001x128xf32, #tpu.memory_space<hbm>> -> memref<100001x128xf32, #tpu.memory_space<hbm>>
      tpu.enqueue_indirect_dma source(%dma_start3A_535 : memref<100001x128xf32, #tpu.memory_space<hbm>>) target(%arg6 : memref<112x128xf32, #tpu.memory_space<vmem>>) offsets(%dma_start3A_532 : memref<112xi32, #tpu.memory_space<vmem>>) semaphore(%arg10 : memref<!tpu.dma_semaphore, #tpu.memory_space<semaphore_mem>>)
      %mul3A_536 = arith.constant 4 : i32
      %mul3A_537 = arith.muli %scan3A_318, %mul3A_536 : i32
      %add3A_538 = arith.constant 1 : i32
      %add3A_539 = arith.addi %mul3A_537, %add3A_538 : i32
      %mul3A_540 = arith.constant 2 : i32
      %mul3A_541 = arith.muli %mul3A_540, %add3A_539 : i32
      %add3A_542 = arith.addi %mul3A_2, %mul3A_541 : i32
      %dma_wait3A_543 = arith.constant 0 : i32
      %dma_wait3A_544 = arith.constant 0 : i32
      %dma_wait3A_545 = tpu.memref_slice %arg7[%dma_wait3A_543, %dma_wait3A_544] : memref<112x128xf32, #tpu.memory_space<vmem>> -> memref<50x128xf32, #tpu.memory_space<vmem>>
      %dma_wait3A_546 = arith.constant 0 : i32
      %dma_wait3A_547 = arith.constant 0 : i32
      %dma_wait3A_548 = tpu.memref_slice %arg4[%add3A_542, %dma_wait3A_546, %dma_wait3A_547] : memref<4096x50x128xf32, #tpu.memory_space<hbm>> -> memref<1x50x128xf32, #tpu.memory_space<hbm>>
      %dma_wait3A_549 = tpu.memref_squeeze %dma_wait3A_548 : memref<1x50x128xf32, #tpu.memory_space<hbm>> -> memref<50x128xf32, #tpu.memory_space<hbm>>
      %dma_wait3A_550 = arith.constant 0 : i32
      %dma_wait3A_551 = arith.constant 0 : i32
      %dma_wait3A_552 = tpu.memref_slice %arg4[%add3A_542, %dma_wait3A_550, %dma_wait3A_551] : memref<4096x50x128xf32, #tpu.memory_space<hbm>> -> memref<1x50x128xf32, #tpu.memory_space<hbm>>
      %dma_wait3A_553 = tpu.memref_squeeze %dma_wait3A_552 : memref<1x50x128xf32, #tpu.memory_space<hbm>> -> memref<50x128xf32, #tpu.memory_space<hbm>>
      %dma_wait3A_554 = arith.constant 0 : i32
      %dma_wait3A_555 = arith.constant 0 : i32
      %dma_wait3A_556 = tpu.memref_slice %arg7[%dma_wait3A_554, %dma_wait3A_555] : memref<112x128xf32, #tpu.memory_space<vmem>> -> memref<50x128xf32, #tpu.memory_space<vmem>>
      tpu.wait_dma2 semaphore(%arg15 : memref<!tpu.dma_semaphore, #tpu.memory_space<semaphore_mem>>) src(%dma_wait3A_556 : memref<50x128xf32, #tpu.memory_space<vmem>>) dst(%dma_wait3A_553 : memref<50x128xf32, #tpu.memory_space<hbm>>)
      %add3A_557 = arith.constant 1 : i32
      %add3A_558 = arith.addi %add3A_542, %add3A_557 : i32
      %dma_wait3A_559 = arith.constant 56 : i32
      %dma_wait3A_560 = arith.constant 0 : i32
      %dma_wait3A_561 = tpu.memref_slice %arg7[%dma_wait3A_559, %dma_wait3A_560] : memref<112x128xf32, #tpu.memory_space<vmem>> -> memref<50x128xf32, #tpu.memory_space<vmem>>
      %dma_wait3A_562 = arith.constant 0 : i32
      %dma_wait3A_563 = arith.constant 0 : i32
      %dma_wait3A_564 = tpu.memref_slice %arg4[%add3A_558, %dma_wait3A_562, %dma_wait3A_563] : memref<4096x50x128xf32, #tpu.memory_space<hbm>> -> memref<1x50x128xf32, #tpu.memory_space<hbm>>
      %dma_wait3A_565 = tpu.memref_squeeze %dma_wait3A_564 : memref<1x50x128xf32, #tpu.memory_space<hbm>> -> memref<50x128xf32, #tpu.memory_space<hbm>>
      %dma_wait3A_566 = arith.constant 0 : i32
      %dma_wait3A_567 = arith.constant 0 : i32
      %dma_wait3A_568 = tpu.memref_slice %arg4[%add3A_558, %dma_wait3A_566, %dma_wait3A_567] : memref<4096x50x128xf32, #tpu.memory_space<hbm>> -> memref<1x50x128xf32, #tpu.memory_space<hbm>>
      %dma_wait3A_569 = tpu.memref_squeeze %dma_wait3A_568 : memref<1x50x128xf32, #tpu.memory_space<hbm>> -> memref<50x128xf32, #tpu.memory_space<hbm>>
      %dma_wait3A_570 = arith.constant 56 : i32
      %dma_wait3A_571 = arith.constant 0 : i32
      %dma_wait3A_572 = tpu.memref_slice %arg7[%dma_wait3A_570, %dma_wait3A_571] : memref<112x128xf32, #tpu.memory_space<vmem>> -> memref<50x128xf32, #tpu.memory_space<vmem>>
      tpu.wait_dma2 semaphore(%arg19 : memref<!tpu.dma_semaphore, #tpu.memory_space<semaphore_mem>>) src(%dma_wait3A_572 : memref<50x128xf32, #tpu.memory_space<vmem>>) dst(%dma_wait3A_569 : memref<50x128xf32, #tpu.memory_space<hbm>>)
      %add3A_573 = arith.constant 4 : i32
      %add3A_574 = arith.addi %add3A_539, %add3A_573 : i32
      %dma_start3A_575 = arith.constant 0 : i32
      %dma_start3A_576 = tpu.memref_slice %arg5[%add3A_574, %dma_start3A_575] : memref<64x112xi32, #tpu.memory_space<vmem>> -> memref<1x112xi32, #tpu.memory_space<vmem>>
      %dma_start3A_577 = tpu.memref_squeeze %dma_start3A_576 : memref<1x112xi32, #tpu.memory_space<vmem>> -> memref<112xi32, #tpu.memory_space<vmem>>
      %dma_start3A_578 = arith.constant 0 : i32
      %dma_start3A_579 = arith.constant 0 : i32
      %dma_start3A_580 = tpu.memref_slice %arg3[%dma_start3A_578, %dma_start3A_579] : memref<100001x128xf32, #tpu.memory_space<hbm>> -> memref<100001x128xf32, #tpu.memory_space<hbm>>
      tpu.enqueue_indirect_dma source(%dma_start3A_580 : memref<100001x128xf32, #tpu.memory_space<hbm>>) target(%arg7 : memref<112x128xf32, #tpu.memory_space<vmem>>) offsets(%dma_start3A_577 : memref<112xi32, #tpu.memory_space<vmem>>) semaphore(%arg11 : memref<!tpu.dma_semaphore, #tpu.memory_space<semaphore_mem>>)
      %mul3A_581 = arith.constant 4 : i32
      %mul3A_582 = arith.muli %scan3A_318, %mul3A_581 : i32
      %add3A_583 = arith.constant 2 : i32
      %add3A_584 = arith.addi %mul3A_582, %add3A_583 : i32
      %mul3A_585 = arith.constant 2 : i32
      %mul3A_586 = arith.muli %mul3A_585, %add3A_584 : i32
      %add3A_587 = arith.addi %mul3A_2, %mul3A_586 : i32
      %dma_wait3A_588 = arith.constant 0 : i32
      %dma_wait3A_589 = arith.constant 0 : i32
      %dma_wait3A_590 = tpu.memref_slice %arg8[%dma_wait3A_588, %dma_wait3A_589] : memref<112x128xf32, #tpu.memory_space<vmem>> -> memref<50x128xf32, #tpu.memory_space<vmem>>
      %dma_wait3A_591 = arith.constant 0 : i32
      %dma_wait3A_592 = arith.constant 0 : i32
      %dma_wait3A_593 = tpu.memref_slice %arg4[%add3A_587, %dma_wait3A_591, %dma_wait3A_592] : memref<4096x50x128xf32, #tpu.memory_space<hbm>> -> memref<1x50x128xf32, #tpu.memory_space<hbm>>
      %dma_wait3A_594 = tpu.memref_squeeze %dma_wait3A_593 : memref<1x50x128xf32, #tpu.memory_space<hbm>> -> memref<50x128xf32, #tpu.memory_space<hbm>>
      %dma_wait3A_595 = arith.constant 0 : i32
      %dma_wait3A_596 = arith.constant 0 : i32
      %dma_wait3A_597 = tpu.memref_slice %arg4[%add3A_587, %dma_wait3A_595, %dma_wait3A_596] : memref<4096x50x128xf32, #tpu.memory_space<hbm>> -> memref<1x50x128xf32, #tpu.memory_space<hbm>>
      %dma_wait3A_598 = tpu.memref_squeeze %dma_wait3A_597 : memref<1x50x128xf32, #tpu.memory_space<hbm>> -> memref<50x128xf32, #tpu.memory_space<hbm>>
      %dma_wait3A_599 = arith.constant 0 : i32
      %dma_wait3A_600 = arith.constant 0 : i32
      %dma_wait3A_601 = tpu.memref_slice %arg8[%dma_wait3A_599, %dma_wait3A_600] : memref<112x128xf32, #tpu.memory_space<vmem>> -> memref<50x128xf32, #tpu.memory_space<vmem>>
      tpu.wait_dma2 semaphore(%arg16 : memref<!tpu.dma_semaphore, #tpu.memory_space<semaphore_mem>>) src(%dma_wait3A_601 : memref<50x128xf32, #tpu.memory_space<vmem>>) dst(%dma_wait3A_598 : memref<50x128xf32, #tpu.memory_space<hbm>>)
      %add3A_602 = arith.constant 1 : i32
      %add3A_603 = arith.addi %add3A_587, %add3A_602 : i32
      %dma_wait3A_604 = arith.constant 56 : i32
      %dma_wait3A_605 = arith.constant 0 : i32
      %dma_wait3A_606 = tpu.memref_slice %arg8[%dma_wait3A_604, %dma_wait3A_605] : memref<112x128xf32, #tpu.memory_space<vmem>> -> memref<50x128xf32, #tpu.memory_space<vmem>>
      %dma_wait3A_607 = arith.constant 0 : i32
      %dma_wait3A_608 = arith.constant 0 : i32
      %dma_wait3A_609 = tpu.memref_slice %arg4[%add3A_603, %dma_wait3A_607, %dma_wait3A_608] : memref<4096x50x128xf32, #tpu.memory_space<hbm>> -> memref<1x50x128xf32, #tpu.memory_space<hbm>>
      %dma_wait3A_610 = tpu.memref_squeeze %dma_wait3A_609 : memref<1x50x128xf32, #tpu.memory_space<hbm>> -> memref<50x128xf32, #tpu.memory_space<hbm>>
      %dma_wait3A_611 = arith.constant 0 : i32
      %dma_wait3A_612 = arith.constant 0 : i32
      %dma_wait3A_613 = tpu.memref_slice %arg4[%add3A_603, %dma_wait3A_611, %dma_wait3A_612] : memref<4096x50x128xf32, #tpu.memory_space<hbm>> -> memref<1x50x128xf32, #tpu.memory_space<hbm>>
      %dma_wait3A_614 = tpu.memref_squeeze %dma_wait3A_613 : memref<1x50x128xf32, #tpu.memory_space<hbm>> -> memref<50x128xf32, #tpu.memory_space<hbm>>
      %dma_wait3A_615 = arith.constant 56 : i32
      %dma_wait3A_616 = arith.constant 0 : i32
      %dma_wait3A_617 = tpu.memref_slice %arg8[%dma_wait3A_615, %dma_wait3A_616] : memref<112x128xf32, #tpu.memory_space<vmem>> -> memref<50x128xf32, #tpu.memory_space<vmem>>
      tpu.wait_dma2 semaphore(%arg20 : memref<!tpu.dma_semaphore, #tpu.memory_space<semaphore_mem>>) src(%dma_wait3A_617 : memref<50x128xf32, #tpu.memory_space<vmem>>) dst(%dma_wait3A_614 : memref<50x128xf32, #tpu.memory_space<hbm>>)
      %add3A_618 = arith.constant 4 : i32
      %add3A_619 = arith.addi %add3A_584, %add3A_618 : i32
      %dma_start3A_620 = arith.constant 0 : i32
      %dma_start3A_621 = tpu.memref_slice %arg5[%add3A_619, %dma_start3A_620] : memref<64x112xi32, #tpu.memory_space<vmem>> -> memref<1x112xi32, #tpu.memory_space<vmem>>
      %dma_start3A_622 = tpu.memref_squeeze %dma_start3A_621 : memref<1x112xi32, #tpu.memory_space<vmem>> -> memref<112xi32, #tpu.memory_space<vmem>>
      %dma_start3A_623 = arith.constant 0 : i32
      %dma_start3A_624 = arith.constant 0 : i32
      %dma_start3A_625 = tpu.memref_slice %arg3[%dma_start3A_623, %dma_start3A_624] : memref<100001x128xf32, #tpu.memory_space<hbm>> -> memref<100001x128xf32, #tpu.memory_space<hbm>>
      tpu.enqueue_indirect_dma source(%dma_start3A_625 : memref<100001x128xf32, #tpu.memory_space<hbm>>) target(%arg8 : memref<112x128xf32, #tpu.memory_space<vmem>>) offsets(%dma_start3A_622 : memref<112xi32, #tpu.memory_space<vmem>>) semaphore(%arg12 : memref<!tpu.dma_semaphore, #tpu.memory_space<semaphore_mem>>)
      %mul3A_626 = arith.constant 4 : i32
      %mul3A_627 = arith.muli %scan3A_318, %mul3A_626 : i32
      %add3A_628 = arith.constant 3 : i32
      %add3A_629 = arith.addi %mul3A_627, %add3A_628 : i32
      %mul3A_630 = arith.constant 2 : i32
      %mul3A_631 = arith.muli %mul3A_630, %add3A_629 : i32
      %add3A_632 = arith.addi %mul3A_2, %mul3A_631 : i32
      %dma_wait3A_633 = arith.constant 0 : i32
      %dma_wait3A_634 = arith.constant 0 : i32
      %dma_wait3A_635 = tpu.memref_slice %arg9[%dma_wait3A_633, %dma_wait3A_634] : memref<112x128xf32, #tpu.memory_space<vmem>> -> memref<50x128xf32, #tpu.memory_space<vmem>>
      %dma_wait3A_636 = arith.constant 0 : i32
      %dma_wait3A_637 = arith.constant 0 : i32
      %dma_wait3A_638 = tpu.memref_slice %arg4[%add3A_632, %dma_wait3A_636, %dma_wait3A_637] : memref<4096x50x128xf32, #tpu.memory_space<hbm>> -> memref<1x50x128xf32, #tpu.memory_space<hbm>>
      %dma_wait3A_639 = tpu.memref_squeeze %dma_wait3A_638 : memref<1x50x128xf32, #tpu.memory_space<hbm>> -> memref<50x128xf32, #tpu.memory_space<hbm>>
      %dma_wait3A_640 = arith.constant 0 : i32
      %dma_wait3A_641 = arith.constant 0 : i32
      %dma_wait3A_642 = tpu.memref_slice %arg4[%add3A_632, %dma_wait3A_640, %dma_wait3A_641] : memref<4096x50x128xf32, #tpu.memory_space<hbm>> -> memref<1x50x128xf32, #tpu.memory_space<hbm>>
      %dma_wait3A_643 = tpu.memref_squeeze %dma_wait3A_642 : memref<1x50x128xf32, #tpu.memory_space<hbm>> -> memref<50x128xf32, #tpu.memory_space<hbm>>
      %dma_wait3A_644 = arith.constant 0 : i32
      %dma_wait3A_645 = arith.constant 0 : i32
      %dma_wait3A_646 = tpu.memref_slice %arg9[%dma_wait3A_644, %dma_wait3A_645] : memref<112x128xf32, #tpu.memory_space<vmem>> -> memref<50x128xf32, #tpu.memory_space<vmem>>
      tpu.wait_dma2 semaphore(%arg17 : memref<!tpu.dma_semaphore, #tpu.memory_space<semaphore_mem>>) src(%dma_wait3A_646 : memref<50x128xf32, #tpu.memory_space<vmem>>) dst(%dma_wait3A_643 : memref<50x128xf32, #tpu.memory_space<hbm>>)
      %add3A_647 = arith.constant 1 : i32
      %add3A_648 = arith.addi %add3A_632, %add3A_647 : i32
      %dma_wait3A_649 = arith.constant 56 : i32
      %dma_wait3A_650 = arith.constant 0 : i32
      %dma_wait3A_651 = tpu.memref_slice %arg9[%dma_wait3A_649, %dma_wait3A_650] : memref<112x128xf32, #tpu.memory_space<vmem>> -> memref<50x128xf32, #tpu.memory_space<vmem>>
      %dma_wait3A_652 = arith.constant 0 : i32
      %dma_wait3A_653 = arith.constant 0 : i32
      %dma_wait3A_654 = tpu.memref_slice %arg4[%add3A_648, %dma_wait3A_652, %dma_wait3A_653] : memref<4096x50x128xf32, #tpu.memory_space<hbm>> -> memref<1x50x128xf32, #tpu.memory_space<hbm>>
      %dma_wait3A_655 = tpu.memref_squeeze %dma_wait3A_654 : memref<1x50x128xf32, #tpu.memory_space<hbm>> -> memref<50x128xf32, #tpu.memory_space<hbm>>
      %dma_wait3A_656 = arith.constant 0 : i32
      %dma_wait3A_657 = arith.constant 0 : i32
      %dma_wait3A_658 = tpu.memref_slice %arg4[%add3A_648, %dma_wait3A_656, %dma_wait3A_657] : memref<4096x50x128xf32, #tpu.memory_space<hbm>> -> memref<1x50x128xf32, #tpu.memory_space<hbm>>
      %dma_wait3A_659 = tpu.memref_squeeze %dma_wait3A_658 : memref<1x50x128xf32, #tpu.memory_space<hbm>> -> memref<50x128xf32, #tpu.memory_space<hbm>>
      %dma_wait3A_660 = arith.constant 56 : i32
      %dma_wait3A_661 = arith.constant 0 : i32
      %dma_wait3A_662 = tpu.memref_slice %arg9[%dma_wait3A_660, %dma_wait3A_661] : memref<112x128xf32, #tpu.memory_space<vmem>> -> memref<50x128xf32, #tpu.memory_space<vmem>>
      tpu.wait_dma2 semaphore(%arg21 : memref<!tpu.dma_semaphore, #tpu.memory_space<semaphore_mem>>) src(%dma_wait3A_662 : memref<50x128xf32, #tpu.memory_space<vmem>>) dst(%dma_wait3A_659 : memref<50x128xf32, #tpu.memory_space<hbm>>)
      %add3A_663 = arith.constant 4 : i32
      %add3A_664 = arith.addi %add3A_629, %add3A_663 : i32
      %dma_start3A_665 = arith.constant 0 : i32
      %dma_start3A_666 = tpu.memref_slice %arg5[%add3A_664, %dma_start3A_665] : memref<64x112xi32, #tpu.memory_space<vmem>> -> memref<1x112xi32, #tpu.memory_space<vmem>>
      %dma_start3A_667 = tpu.memref_squeeze %dma_start3A_666 : memref<1x112xi32, #tpu.memory_space<vmem>> -> memref<112xi32, #tpu.memory_space<vmem>>
      %dma_start3A_668 = arith.constant 0 : i32
      %dma_start3A_669 = arith.constant 0 : i32
      %dma_start3A_670 = tpu.memref_slice %arg3[%dma_start3A_668, %dma_start3A_669] : memref<100001x128xf32, #tpu.memory_space<hbm>> -> memref<100001x128xf32, #tpu.memory_space<hbm>>
      tpu.enqueue_indirect_dma source(%dma_start3A_670 : memref<100001x128xf32, #tpu.memory_space<hbm>>) target(%arg9 : memref<112x128xf32, #tpu.memory_space<vmem>>) offsets(%dma_start3A_667 : memref<112xi32, #tpu.memory_space<vmem>>) semaphore(%arg13 : memref<!tpu.dma_semaphore, #tpu.memory_space<semaphore_mem>>)
    }
    %scan3A_34 = arith.constant 15 : i32
    %dma_wait3A = arith.constant 60 : i32
    %dma_wait3A_35 = arith.constant 0 : i32
    %dma_wait3A_36 = tpu.memref_slice %arg5[%dma_wait3A, %dma_wait3A_35] : memref<64x112xi32, #tpu.memory_space<vmem>> -> memref<1x112xi32, #tpu.memory_space<vmem>>
    %dma_wait3A_37 = tpu.memref_squeeze %dma_wait3A_36 : memref<1x112xi32, #tpu.memory_space<vmem>> -> memref<112xi32, #tpu.memory_space<vmem>>
    %dma_wait3A_38 = arith.constant 0 : i32
    %dma_wait3A_39 = arith.constant 0 : i32
    %dma_wait3A_40 = tpu.memref_slice %arg3[%dma_wait3A_38, %dma_wait3A_39] : memref<100001x128xf32, #tpu.memory_space<hbm>> -> memref<100001x128xf32, #tpu.memory_space<hbm>>
    tpu.wait_indirect_dma semaphore(%arg10 : memref<!tpu.dma_semaphore, #tpu.memory_space<semaphore_mem>>) src(%dma_wait3A_40 : memref<100001x128xf32, #tpu.memory_space<hbm>>) dst(%arg6 : memref<112x128xf32, #tpu.memory_space<vmem>>)
    %add3A_41 = arith.constant 120 : i32
    %add3A_42 = arith.addi %mul3A_2, %add3A_41 : i32
    %dma_start3A_43 = arith.constant 0 : i32
    %dma_start3A_44 = arith.constant 0 : i32
    %dma_start3A_45 = tpu.memref_slice %arg6[%dma_start3A_43, %dma_start3A_44] : memref<112x128xf32, #tpu.memory_space<vmem>> -> memref<50x128xf32, #tpu.memory_space<vmem>>
    %dma_start3A_46 = arith.constant 0 : i32
    %dma_start3A_47 = arith.constant 0 : i32
    %dma_start3A_48 = tpu.memref_slice %arg4[%add3A_42, %dma_start3A_46, %dma_start3A_47] : memref<4096x50x128xf32, #tpu.memory_space<hbm>> -> memref<1x50x128xf32, #tpu.memory_space<hbm>>
    %dma_start3A_49 = tpu.memref_squeeze %dma_start3A_48 : memref<1x50x128xf32, #tpu.memory_space<hbm>> -> memref<50x128xf32, #tpu.memory_space<hbm>>
    %dma_start3A_50 = arith.constant 0 : i32
    %dma_start3A_51 = arith.constant 0 : i32
    %dma_start3A_52 = tpu.memref_slice %arg4[%add3A_42, %dma_start3A_50, %dma_start3A_51] : memref<4096x50x128xf32, #tpu.memory_space<hbm>> -> memref<1x50x128xf32, #tpu.memory_space<hbm>>
    %dma_start3A_53 = tpu.memref_squeeze %dma_start3A_52 : memref<1x50x128xf32, #tpu.memory_space<hbm>> -> memref<50x128xf32, #tpu.memory_space<hbm>>
    %dma_start3A_54 = arith.constant 0 : i32
    %dma_start3A_55 = arith.constant 0 : i32
    %dma_start3A_56 = tpu.memref_slice %arg6[%dma_start3A_54, %dma_start3A_55] : memref<112x128xf32, #tpu.memory_space<vmem>> -> memref<50x128xf32, #tpu.memory_space<vmem>>
    tpu.enqueue_dma source(%dma_start3A_56 : memref<50x128xf32, #tpu.memory_space<vmem>>) target(%dma_start3A_53 : memref<50x128xf32, #tpu.memory_space<hbm>>) target_semaphore(%arg14 : memref<!tpu.dma_semaphore, #tpu.memory_space<semaphore_mem>>)
    %add3A_57 = arith.constant 1 : i32
    %add3A_58 = arith.addi %add3A_42, %add3A_57 : i32
    %dma_start3A_59 = arith.constant 56 : i32
    %dma_start3A_60 = arith.constant 0 : i32
    %dma_start3A_61 = tpu.memref_slice %arg6[%dma_start3A_59, %dma_start3A_60] : memref<112x128xf32, #tpu.memory_space<vmem>> -> memref<50x128xf32, #tpu.memory_space<vmem>>
    %dma_start3A_62 = arith.constant 0 : i32
    %dma_start3A_63 = arith.constant 0 : i32
    %dma_start3A_64 = tpu.memref_slice %arg4[%add3A_58, %dma_start3A_62, %dma_start3A_63] : memref<4096x50x128xf32, #tpu.memory_space<hbm>> -> memref<1x50x128xf32, #tpu.memory_space<hbm>>
    %dma_start3A_65 = tpu.memref_squeeze %dma_start3A_64 : memref<1x50x128xf32, #tpu.memory_space<hbm>> -> memref<50x128xf32, #tpu.memory_space<hbm>>
    %dma_start3A_66 = arith.constant 0 : i32
    %dma_start3A_67 = arith.constant 0 : i32
    %dma_start3A_68 = tpu.memref_slice %arg4[%add3A_58, %dma_start3A_66, %dma_start3A_67] : memref<4096x50x128xf32, #tpu.memory_space<hbm>> -> memref<1x50x128xf32, #tpu.memory_space<hbm>>
    %dma_start3A_69 = tpu.memref_squeeze %dma_start3A_68 : memref<1x50x128xf32, #tpu.memory_space<hbm>> -> memref<50x128xf32, #tpu.memory_space<hbm>>
    %dma_start3A_70 = arith.constant 56 : i32
    %dma_start3A_71 = arith.constant 0 : i32
    %dma_start3A_72 = tpu.memref_slice %arg6[%dma_start3A_70, %dma_start3A_71] : memref<112x128xf32, #tpu.memory_space<vmem>> -> memref<50x128xf32, #tpu.memory_space<vmem>>
    tpu.enqueue_dma source(%dma_start3A_72 : memref<50x128xf32, #tpu.memory_space<vmem>>) target(%dma_start3A_69 : memref<50x128xf32, #tpu.memory_space<hbm>>) target_semaphore(%arg18 : memref<!tpu.dma_semaphore, #tpu.memory_space<semaphore_mem>>)
    %dma_wait3A_73 = arith.constant 61 : i32
    %dma_wait3A_74 = arith.constant 0 : i32
    %dma_wait3A_75 = tpu.memref_slice %arg5[%dma_wait3A_73, %dma_wait3A_74] : memref<64x112xi32, #tpu.memory_space<vmem>> -> memref<1x112xi32, #tpu.memory_space<vmem>>
    %dma_wait3A_76 = tpu.memref_squeeze %dma_wait3A_75 : memref<1x112xi32, #tpu.memory_space<vmem>> -> memref<112xi32, #tpu.memory_space<vmem>>
    %dma_wait3A_77 = arith.constant 0 : i32
    %dma_wait3A_78 = arith.constant 0 : i32
    %dma_wait3A_79 = tpu.memref_slice %arg3[%dma_wait3A_77, %dma_wait3A_78] : memref<100001x128xf32, #tpu.memory_space<hbm>> -> memref<100001x128xf32, #tpu.memory_space<hbm>>
    tpu.wait_indirect_dma semaphore(%arg11 : memref<!tpu.dma_semaphore, #tpu.memory_space<semaphore_mem>>) src(%dma_wait3A_79 : memref<100001x128xf32, #tpu.memory_space<hbm>>) dst(%arg7 : memref<112x128xf32, #tpu.memory_space<vmem>>)
    %add3A_80 = arith.constant 122 : i32
    %add3A_81 = arith.addi %mul3A_2, %add3A_80 : i32
    %dma_start3A_82 = arith.constant 0 : i32
    %dma_start3A_83 = arith.constant 0 : i32
    %dma_start3A_84 = tpu.memref_slice %arg7[%dma_start3A_82, %dma_start3A_83] : memref<112x128xf32, #tpu.memory_space<vmem>> -> memref<50x128xf32, #tpu.memory_space<vmem>>
    %dma_start3A_85 = arith.constant 0 : i32
    %dma_start3A_86 = arith.constant 0 : i32
    %dma_start3A_87 = tpu.memref_slice %arg4[%add3A_81, %dma_start3A_85, %dma_start3A_86] : memref<4096x50x128xf32, #tpu.memory_space<hbm>> -> memref<1x50x128xf32, #tpu.memory_space<hbm>>
    %dma_start3A_88 = tpu.memref_squeeze %dma_start3A_87 : memref<1x50x128xf32, #tpu.memory_space<hbm>> -> memref<50x128xf32, #tpu.memory_space<hbm>>
    %dma_start3A_89 = arith.constant 0 : i32
    %dma_start3A_90 = arith.constant 0 : i32
    %dma_start3A_91 = tpu.memref_slice %arg4[%add3A_81, %dma_start3A_89, %dma_start3A_90] : memref<4096x50x128xf32, #tpu.memory_space<hbm>> -> memref<1x50x128xf32, #tpu.memory_space<hbm>>
    %dma_start3A_92 = tpu.memref_squeeze %dma_start3A_91 : memref<1x50x128xf32, #tpu.memory_space<hbm>> -> memref<50x128xf32, #tpu.memory_space<hbm>>
    %dma_start3A_93 = arith.constant 0 : i32
    %dma_start3A_94 = arith.constant 0 : i32
    %dma_start3A_95 = tpu.memref_slice %arg7[%dma_start3A_93, %dma_start3A_94] : memref<112x128xf32, #tpu.memory_space<vmem>> -> memref<50x128xf32, #tpu.memory_space<vmem>>
    tpu.enqueue_dma source(%dma_start3A_95 : memref<50x128xf32, #tpu.memory_space<vmem>>) target(%dma_start3A_92 : memref<50x128xf32, #tpu.memory_space<hbm>>) target_semaphore(%arg15 : memref<!tpu.dma_semaphore, #tpu.memory_space<semaphore_mem>>)
    %add3A_96 = arith.constant 1 : i32
    %add3A_97 = arith.addi %add3A_81, %add3A_96 : i32
    %dma_start3A_98 = arith.constant 56 : i32
    %dma_start3A_99 = arith.constant 0 : i32
    %dma_start3A_100 = tpu.memref_slice %arg7[%dma_start3A_98, %dma_start3A_99] : memref<112x128xf32, #tpu.memory_space<vmem>> -> memref<50x128xf32, #tpu.memory_space<vmem>>
    %dma_start3A_101 = arith.constant 0 : i32
    %dma_start3A_102 = arith.constant 0 : i32
    %dma_start3A_103 = tpu.memref_slice %arg4[%add3A_97, %dma_start3A_101, %dma_start3A_102] : memref<4096x50x128xf32, #tpu.memory_space<hbm>> -> memref<1x50x128xf32, #tpu.memory_space<hbm>>
    %dma_start3A_104 = tpu.memref_squeeze %dma_start3A_103 : memref<1x50x128xf32, #tpu.memory_space<hbm>> -> memref<50x128xf32, #tpu.memory_space<hbm>>
    %dma_start3A_105 = arith.constant 0 : i32
    %dma_start3A_106 = arith.constant 0 : i32
    %dma_start3A_107 = tpu.memref_slice %arg4[%add3A_97, %dma_start3A_105, %dma_start3A_106] : memref<4096x50x128xf32, #tpu.memory_space<hbm>> -> memref<1x50x128xf32, #tpu.memory_space<hbm>>
    %dma_start3A_108 = tpu.memref_squeeze %dma_start3A_107 : memref<1x50x128xf32, #tpu.memory_space<hbm>> -> memref<50x128xf32, #tpu.memory_space<hbm>>
    %dma_start3A_109 = arith.constant 56 : i32
    %dma_start3A_110 = arith.constant 0 : i32
    %dma_start3A_111 = tpu.memref_slice %arg7[%dma_start3A_109, %dma_start3A_110] : memref<112x128xf32, #tpu.memory_space<vmem>> -> memref<50x128xf32, #tpu.memory_space<vmem>>
    tpu.enqueue_dma source(%dma_start3A_111 : memref<50x128xf32, #tpu.memory_space<vmem>>) target(%dma_start3A_108 : memref<50x128xf32, #tpu.memory_space<hbm>>) target_semaphore(%arg19 : memref<!tpu.dma_semaphore, #tpu.memory_space<semaphore_mem>>)
    %dma_wait3A_112 = arith.constant 62 : i32
    %dma_wait3A_113 = arith.constant 0 : i32
    %dma_wait3A_114 = tpu.memref_slice %arg5[%dma_wait3A_112, %dma_wait3A_113] : memref<64x112xi32, #tpu.memory_space<vmem>> -> memref<1x112xi32, #tpu.memory_space<vmem>>
    %dma_wait3A_115 = tpu.memref_squeeze %dma_wait3A_114 : memref<1x112xi32, #tpu.memory_space<vmem>> -> memref<112xi32, #tpu.memory_space<vmem>>
    %dma_wait3A_116 = arith.constant 0 : i32
    %dma_wait3A_117 = arith.constant 0 : i32
    %dma_wait3A_118 = tpu.memref_slice %arg3[%dma_wait3A_116, %dma_wait3A_117] : memref<100001x128xf32, #tpu.memory_space<hbm>> -> memref<100001x128xf32, #tpu.memory_space<hbm>>
    tpu.wait_indirect_dma semaphore(%arg12 : memref<!tpu.dma_semaphore, #tpu.memory_space<semaphore_mem>>) src(%dma_wait3A_118 : memref<100001x128xf32, #tpu.memory_space<hbm>>) dst(%arg8 : memref<112x128xf32, #tpu.memory_space<vmem>>)
    %add3A_119 = arith.constant 124 : i32
    %add3A_120 = arith.addi %mul3A_2, %add3A_119 : i32
    %dma_start3A_121 = arith.constant 0 : i32
    %dma_start3A_122 = arith.constant 0 : i32
    %dma_start3A_123 = tpu.memref_slice %arg8[%dma_start3A_121, %dma_start3A_122] : memref<112x128xf32, #tpu.memory_space<vmem>> -> memref<50x128xf32, #tpu.memory_space<vmem>>
    %dma_start3A_124 = arith.constant 0 : i32
    %dma_start3A_125 = arith.constant 0 : i32
    %dma_start3A_126 = tpu.memref_slice %arg4[%add3A_120, %dma_start3A_124, %dma_start3A_125] : memref<4096x50x128xf32, #tpu.memory_space<hbm>> -> memref<1x50x128xf32, #tpu.memory_space<hbm>>
    %dma_start3A_127 = tpu.memref_squeeze %dma_start3A_126 : memref<1x50x128xf32, #tpu.memory_space<hbm>> -> memref<50x128xf32, #tpu.memory_space<hbm>>
    %dma_start3A_128 = arith.constant 0 : i32
    %dma_start3A_129 = arith.constant 0 : i32
    %dma_start3A_130 = tpu.memref_slice %arg4[%add3A_120, %dma_start3A_128, %dma_start3A_129] : memref<4096x50x128xf32, #tpu.memory_space<hbm>> -> memref<1x50x128xf32, #tpu.memory_space<hbm>>
    %dma_start3A_131 = tpu.memref_squeeze %dma_start3A_130 : memref<1x50x128xf32, #tpu.memory_space<hbm>> -> memref<50x128xf32, #tpu.memory_space<hbm>>
    %dma_start3A_132 = arith.constant 0 : i32
    %dma_start3A_133 = arith.constant 0 : i32
    %dma_start3A_134 = tpu.memref_slice %arg8[%dma_start3A_132, %dma_start3A_133] : memref<112x128xf32, #tpu.memory_space<vmem>> -> memref<50x128xf32, #tpu.memory_space<vmem>>
    tpu.enqueue_dma source(%dma_start3A_134 : memref<50x128xf32, #tpu.memory_space<vmem>>) target(%dma_start3A_131 : memref<50x128xf32, #tpu.memory_space<hbm>>) target_semaphore(%arg16 : memref<!tpu.dma_semaphore, #tpu.memory_space<semaphore_mem>>)
    %add3A_135 = arith.constant 1 : i32
    %add3A_136 = arith.addi %add3A_120, %add3A_135 : i32
    %dma_start3A_137 = arith.constant 56 : i32
    %dma_start3A_138 = arith.constant 0 : i32
    %dma_start3A_139 = tpu.memref_slice %arg8[%dma_start3A_137, %dma_start3A_138] : memref<112x128xf32, #tpu.memory_space<vmem>> -> memref<50x128xf32, #tpu.memory_space<vmem>>
    %dma_start3A_140 = arith.constant 0 : i32
    %dma_start3A_141 = arith.constant 0 : i32
    %dma_start3A_142 = tpu.memref_slice %arg4[%add3A_136, %dma_start3A_140, %dma_start3A_141] : memref<4096x50x128xf32, #tpu.memory_space<hbm>> -> memref<1x50x128xf32, #tpu.memory_space<hbm>>
    %dma_start3A_143 = tpu.memref_squeeze %dma_start3A_142 : memref<1x50x128xf32, #tpu.memory_space<hbm>> -> memref<50x128xf32, #tpu.memory_space<hbm>>
    %dma_start3A_144 = arith.constant 0 : i32
    %dma_start3A_145 = arith.constant 0 : i32
    %dma_start3A_146 = tpu.memref_slice %arg4[%add3A_136, %dma_start3A_144, %dma_start3A_145] : memref<4096x50x128xf32, #tpu.memory_space<hbm>> -> memref<1x50x128xf32, #tpu.memory_space<hbm>>
    %dma_start3A_147 = tpu.memref_squeeze %dma_start3A_146 : memref<1x50x128xf32, #tpu.memory_space<hbm>> -> memref<50x128xf32, #tpu.memory_space<hbm>>
    %dma_start3A_148 = arith.constant 56 : i32
    %dma_start3A_149 = arith.constant 0 : i32
    %dma_start3A_150 = tpu.memref_slice %arg8[%dma_start3A_148, %dma_start3A_149] : memref<112x128xf32, #tpu.memory_space<vmem>> -> memref<50x128xf32, #tpu.memory_space<vmem>>
    tpu.enqueue_dma source(%dma_start3A_150 : memref<50x128xf32, #tpu.memory_space<vmem>>) target(%dma_start3A_147 : memref<50x128xf32, #tpu.memory_space<hbm>>) target_semaphore(%arg20 : memref<!tpu.dma_semaphore, #tpu.memory_space<semaphore_mem>>)
    %dma_wait3A_151 = arith.constant 63 : i32
    %dma_wait3A_152 = arith.constant 0 : i32
    %dma_wait3A_153 = tpu.memref_slice %arg5[%dma_wait3A_151, %dma_wait3A_152] : memref<64x112xi32, #tpu.memory_space<vmem>> -> memref<1x112xi32, #tpu.memory_space<vmem>>
    %dma_wait3A_154 = tpu.memref_squeeze %dma_wait3A_153 : memref<1x112xi32, #tpu.memory_space<vmem>> -> memref<112xi32, #tpu.memory_space<vmem>>
    %dma_wait3A_155 = arith.constant 0 : i32
    %dma_wait3A_156 = arith.constant 0 : i32
    %dma_wait3A_157 = tpu.memref_slice %arg3[%dma_wait3A_155, %dma_wait3A_156] : memref<100001x128xf32, #tpu.memory_space<hbm>> -> memref<100001x128xf32, #tpu.memory_space<hbm>>
    tpu.wait_indirect_dma semaphore(%arg13 : memref<!tpu.dma_semaphore, #tpu.memory_space<semaphore_mem>>) src(%dma_wait3A_157 : memref<100001x128xf32, #tpu.memory_space<hbm>>) dst(%arg9 : memref<112x128xf32, #tpu.memory_space<vmem>>)
    %add3A_158 = arith.constant 126 : i32
    %add3A_159 = arith.addi %mul3A_2, %add3A_158 : i32
    %dma_start3A_160 = arith.constant 0 : i32
    %dma_start3A_161 = arith.constant 0 : i32
    %dma_start3A_162 = tpu.memref_slice %arg9[%dma_start3A_160, %dma_start3A_161] : memref<112x128xf32, #tpu.memory_space<vmem>> -> memref<50x128xf32, #tpu.memory_space<vmem>>
    %dma_start3A_163 = arith.constant 0 : i32
    %dma_start3A_164 = arith.constant 0 : i32
    %dma_start3A_165 = tpu.memref_slice %arg4[%add3A_159, %dma_start3A_163, %dma_start3A_164] : memref<4096x50x128xf32, #tpu.memory_space<hbm>> -> memref<1x50x128xf32, #tpu.memory_space<hbm>>
    %dma_start3A_166 = tpu.memref_squeeze %dma_start3A_165 : memref<1x50x128xf32, #tpu.memory_space<hbm>> -> memref<50x128xf32, #tpu.memory_space<hbm>>
    %dma_start3A_167 = arith.constant 0 : i32
    %dma_start3A_168 = arith.constant 0 : i32
    %dma_start3A_169 = tpu.memref_slice %arg4[%add3A_159, %dma_start3A_167, %dma_start3A_168] : memref<4096x50x128xf32, #tpu.memory_space<hbm>> -> memref<1x50x128xf32, #tpu.memory_space<hbm>>
    %dma_start3A_170 = tpu.memref_squeeze %dma_start3A_169 : memref<1x50x128xf32, #tpu.memory_space<hbm>> -> memref<50x128xf32, #tpu.memory_space<hbm>>
    %dma_start3A_171 = arith.constant 0 : i32
    %dma_start3A_172 = arith.constant 0 : i32
    %dma_start3A_173 = tpu.memref_slice %arg9[%dma_start3A_171, %dma_start3A_172] : memref<112x128xf32, #tpu.memory_space<vmem>> -> memref<50x128xf32, #tpu.memory_space<vmem>>
    tpu.enqueue_dma source(%dma_start3A_173 : memref<50x128xf32, #tpu.memory_space<vmem>>) target(%dma_start3A_170 : memref<50x128xf32, #tpu.memory_space<hbm>>) target_semaphore(%arg17 : memref<!tpu.dma_semaphore, #tpu.memory_space<semaphore_mem>>)
    %add3A_174 = arith.constant 1 : i32
    %add3A_175 = arith.addi %add3A_159, %add3A_174 : i32
    %dma_start3A_176 = arith.constant 56 : i32
    %dma_start3A_177 = arith.constant 0 : i32
    %dma_start3A_178 = tpu.memref_slice %arg9[%dma_start3A_176, %dma_start3A_177] : memref<112x128xf32, #tpu.memory_space<vmem>> -> memref<50x128xf32, #tpu.memory_space<vmem>>
    %dma_start3A_179 = arith.constant 0 : i32
    %dma_start3A_180 = arith.constant 0 : i32
    %dma_start3A_181 = tpu.memref_slice %arg4[%add3A_175, %dma_start3A_179, %dma_start3A_180] : memref<4096x50x128xf32, #tpu.memory_space<hbm>> -> memref<1x50x128xf32, #tpu.memory_space<hbm>>
    %dma_start3A_182 = tpu.memref_squeeze %dma_start3A_181 : memref<1x50x128xf32, #tpu.memory_space<hbm>> -> memref<50x128xf32, #tpu.memory_space<hbm>>
    %dma_start3A_183 = arith.constant 0 : i32
    %dma_start3A_184 = arith.constant 0 : i32
    %dma_start3A_185 = tpu.memref_slice %arg4[%add3A_175, %dma_start3A_183, %dma_start3A_184] : memref<4096x50x128xf32, #tpu.memory_space<hbm>> -> memref<1x50x128xf32, #tpu.memory_space<hbm>>
    %dma_start3A_186 = tpu.memref_squeeze %dma_start3A_185 : memref<1x50x128xf32, #tpu.memory_space<hbm>> -> memref<50x128xf32, #tpu.memory_space<hbm>>
    %dma_start3A_187 = arith.constant 56 : i32
    %dma_start3A_188 = arith.constant 0 : i32
    %dma_start3A_189 = tpu.memref_slice %arg9[%dma_start3A_187, %dma_start3A_188] : memref<112x128xf32, #tpu.memory_space<vmem>> -> memref<50x128xf32, #tpu.memory_space<vmem>>
    tpu.enqueue_dma source(%dma_start3A_189 : memref<50x128xf32, #tpu.memory_space<vmem>>) target(%dma_start3A_186 : memref<50x128xf32, #tpu.memory_space<hbm>>) target_semaphore(%arg21 : memref<!tpu.dma_semaphore, #tpu.memory_space<semaphore_mem>>)
    %add3A_190 = arith.constant 120 : i32
    %add3A_191 = arith.addi %mul3A_2, %add3A_190 : i32
    %dma_wait3A_192 = arith.constant 0 : i32
    %dma_wait3A_193 = arith.constant 0 : i32
    %dma_wait3A_194 = tpu.memref_slice %arg6[%dma_wait3A_192, %dma_wait3A_193] : memref<112x128xf32, #tpu.memory_space<vmem>> -> memref<50x128xf32, #tpu.memory_space<vmem>>
    %dma_wait3A_195 = arith.constant 0 : i32
    %dma_wait3A_196 = arith.constant 0 : i32
    %dma_wait3A_197 = tpu.memref_slice %arg4[%add3A_191, %dma_wait3A_195, %dma_wait3A_196] : memref<4096x50x128xf32, #tpu.memory_space<hbm>> -> memref<1x50x128xf32, #tpu.memory_space<hbm>>
    %dma_wait3A_198 = tpu.memref_squeeze %dma_wait3A_197 : memref<1x50x128xf32, #tpu.memory_space<hbm>> -> memref<50x128xf32, #tpu.memory_space<hbm>>
    %dma_wait3A_199 = arith.constant 0 : i32
    %dma_wait3A_200 = arith.constant 0 : i32
    %dma_wait3A_201 = tpu.memref_slice %arg4[%add3A_191, %dma_wait3A_199, %dma_wait3A_200] : memref<4096x50x128xf32, #tpu.memory_space<hbm>> -> memref<1x50x128xf32, #tpu.memory_space<hbm>>
    %dma_wait3A_202 = tpu.memref_squeeze %dma_wait3A_201 : memref<1x50x128xf32, #tpu.memory_space<hbm>> -> memref<50x128xf32, #tpu.memory_space<hbm>>
    %dma_wait3A_203 = arith.constant 0 : i32
    %dma_wait3A_204 = arith.constant 0 : i32
    %dma_wait3A_205 = tpu.memref_slice %arg6[%dma_wait3A_203, %dma_wait3A_204] : memref<112x128xf32, #tpu.memory_space<vmem>> -> memref<50x128xf32, #tpu.memory_space<vmem>>
    tpu.wait_dma2 semaphore(%arg14 : memref<!tpu.dma_semaphore, #tpu.memory_space<semaphore_mem>>) src(%dma_wait3A_205 : memref<50x128xf32, #tpu.memory_space<vmem>>) dst(%dma_wait3A_202 : memref<50x128xf32, #tpu.memory_space<hbm>>)
    %add3A_206 = arith.constant 1 : i32
    %add3A_207 = arith.addi %add3A_191, %add3A_206 : i32
    %dma_wait3A_208 = arith.constant 56 : i32
    %dma_wait3A_209 = arith.constant 0 : i32
    %dma_wait3A_210 = tpu.memref_slice %arg6[%dma_wait3A_208, %dma_wait3A_209] : memref<112x128xf32, #tpu.memory_space<vmem>> -> memref<50x128xf32, #tpu.memory_space<vmem>>
    %dma_wait3A_211 = arith.constant 0 : i32
    %dma_wait3A_212 = arith.constant 0 : i32
    %dma_wait3A_213 = tpu.memref_slice %arg4[%add3A_207, %dma_wait3A_211, %dma_wait3A_212] : memref<4096x50x128xf32, #tpu.memory_space<hbm>> -> memref<1x50x128xf32, #tpu.memory_space<hbm>>
    %dma_wait3A_214 = tpu.memref_squeeze %dma_wait3A_213 : memref<1x50x128xf32, #tpu.memory_space<hbm>> -> memref<50x128xf32, #tpu.memory_space<hbm>>
    %dma_wait3A_215 = arith.constant 0 : i32
    %dma_wait3A_216 = arith.constant 0 : i32
    %dma_wait3A_217 = tpu.memref_slice %arg4[%add3A_207, %dma_wait3A_215, %dma_wait3A_216] : memref<4096x50x128xf32, #tpu.memory_space<hbm>> -> memref<1x50x128xf32, #tpu.memory_space<hbm>>
    %dma_wait3A_218 = tpu.memref_squeeze %dma_wait3A_217 : memref<1x50x128xf32, #tpu.memory_space<hbm>> -> memref<50x128xf32, #tpu.memory_space<hbm>>
    %dma_wait3A_219 = arith.constant 56 : i32
    %dma_wait3A_220 = arith.constant 0 : i32
    %dma_wait3A_221 = tpu.memref_slice %arg6[%dma_wait3A_219, %dma_wait3A_220] : memref<112x128xf32, #tpu.memory_space<vmem>> -> memref<50x128xf32, #tpu.memory_space<vmem>>
    tpu.wait_dma2 semaphore(%arg18 : memref<!tpu.dma_semaphore, #tpu.memory_space<semaphore_mem>>) src(%dma_wait3A_221 : memref<50x128xf32, #tpu.memory_space<vmem>>) dst(%dma_wait3A_218 : memref<50x128xf32, #tpu.memory_space<hbm>>)
    %add3A_222 = arith.constant 122 : i32
    %add3A_223 = arith.addi %mul3A_2, %add3A_222 : i32
    %dma_wait3A_224 = arith.constant 0 : i32
    %dma_wait3A_225 = arith.constant 0 : i32
    %dma_wait3A_226 = tpu.memref_slice %arg7[%dma_wait3A_224, %dma_wait3A_225] : memref<112x128xf32, #tpu.memory_space<vmem>> -> memref<50x128xf32, #tpu.memory_space<vmem>>
    %dma_wait3A_227 = arith.constant 0 : i32
    %dma_wait3A_228 = arith.constant 0 : i32
    %dma_wait3A_229 = tpu.memref_slice %arg4[%add3A_223, %dma_wait3A_227, %dma_wait3A_228] : memref<4096x50x128xf32, #tpu.memory_space<hbm>> -> memref<1x50x128xf32, #tpu.memory_space<hbm>>
    %dma_wait3A_230 = tpu.memref_squeeze %dma_wait3A_229 : memref<1x50x128xf32, #tpu.memory_space<hbm>> -> memref<50x128xf32, #tpu.memory_space<hbm>>
    %dma_wait3A_231 = arith.constant 0 : i32
    %dma_wait3A_232 = arith.constant 0 : i32
    %dma_wait3A_233 = tpu.memref_slice %arg4[%add3A_223, %dma_wait3A_231, %dma_wait3A_232] : memref<4096x50x128xf32, #tpu.memory_space<hbm>> -> memref<1x50x128xf32, #tpu.memory_space<hbm>>
    %dma_wait3A_234 = tpu.memref_squeeze %dma_wait3A_233 : memref<1x50x128xf32, #tpu.memory_space<hbm>> -> memref<50x128xf32, #tpu.memory_space<hbm>>
    %dma_wait3A_235 = arith.constant 0 : i32
    %dma_wait3A_236 = arith.constant 0 : i32
    %dma_wait3A_237 = tpu.memref_slice %arg7[%dma_wait3A_235, %dma_wait3A_236] : memref<112x128xf32, #tpu.memory_space<vmem>> -> memref<50x128xf32, #tpu.memory_space<vmem>>
    tpu.wait_dma2 semaphore(%arg15 : memref<!tpu.dma_semaphore, #tpu.memory_space<semaphore_mem>>) src(%dma_wait3A_237 : memref<50x128xf32, #tpu.memory_space<vmem>>) dst(%dma_wait3A_234 : memref<50x128xf32, #tpu.memory_space<hbm>>)
    %add3A_238 = arith.constant 1 : i32
    %add3A_239 = arith.addi %add3A_223, %add3A_238 : i32
    %dma_wait3A_240 = arith.constant 56 : i32
    %dma_wait3A_241 = arith.constant 0 : i32
    %dma_wait3A_242 = tpu.memref_slice %arg7[%dma_wait3A_240, %dma_wait3A_241] : memref<112x128xf32, #tpu.memory_space<vmem>> -> memref<50x128xf32, #tpu.memory_space<vmem>>
    %dma_wait3A_243 = arith.constant 0 : i32
    %dma_wait3A_244 = arith.constant 0 : i32
    %dma_wait3A_245 = tpu.memref_slice %arg4[%add3A_239, %dma_wait3A_243, %dma_wait3A_244] : memref<4096x50x128xf32, #tpu.memory_space<hbm>> -> memref<1x50x128xf32, #tpu.memory_space<hbm>>
    %dma_wait3A_246 = tpu.memref_squeeze %dma_wait3A_245 : memref<1x50x128xf32, #tpu.memory_space<hbm>> -> memref<50x128xf32, #tpu.memory_space<hbm>>
    %dma_wait3A_247 = arith.constant 0 : i32
    %dma_wait3A_248 = arith.constant 0 : i32
    %dma_wait3A_249 = tpu.memref_slice %arg4[%add3A_239, %dma_wait3A_247, %dma_wait3A_248] : memref<4096x50x128xf32, #tpu.memory_space<hbm>> -> memref<1x50x128xf32, #tpu.memory_space<hbm>>
    %dma_wait3A_250 = tpu.memref_squeeze %dma_wait3A_249 : memref<1x50x128xf32, #tpu.memory_space<hbm>> -> memref<50x128xf32, #tpu.memory_space<hbm>>
    %dma_wait3A_251 = arith.constant 56 : i32
    %dma_wait3A_252 = arith.constant 0 : i32
    %dma_wait3A_253 = tpu.memref_slice %arg7[%dma_wait3A_251, %dma_wait3A_252] : memref<112x128xf32, #tpu.memory_space<vmem>> -> memref<50x128xf32, #tpu.memory_space<vmem>>
    tpu.wait_dma2 semaphore(%arg19 : memref<!tpu.dma_semaphore, #tpu.memory_space<semaphore_mem>>) src(%dma_wait3A_253 : memref<50x128xf32, #tpu.memory_space<vmem>>) dst(%dma_wait3A_250 : memref<50x128xf32, #tpu.memory_space<hbm>>)
    %add3A_254 = arith.constant 124 : i32
    %add3A_255 = arith.addi %mul3A_2, %add3A_254 : i32
    %dma_wait3A_256 = arith.constant 0 : i32
    %dma_wait3A_257 = arith.constant 0 : i32
    %dma_wait3A_258 = tpu.memref_slice %arg8[%dma_wait3A_256, %dma_wait3A_257] : memref<112x128xf32, #tpu.memory_space<vmem>> -> memref<50x128xf32, #tpu.memory_space<vmem>>
    %dma_wait3A_259 = arith.constant 0 : i32
    %dma_wait3A_260 = arith.constant 0 : i32
    %dma_wait3A_261 = tpu.memref_slice %arg4[%add3A_255, %dma_wait3A_259, %dma_wait3A_260] : memref<4096x50x128xf32, #tpu.memory_space<hbm>> -> memref<1x50x128xf32, #tpu.memory_space<hbm>>
    %dma_wait3A_262 = tpu.memref_squeeze %dma_wait3A_261 : memref<1x50x128xf32, #tpu.memory_space<hbm>> -> memref<50x128xf32, #tpu.memory_space<hbm>>
    %dma_wait3A_263 = arith.constant 0 : i32
    %dma_wait3A_264 = arith.constant 0 : i32
    %dma_wait3A_265 = tpu.memref_slice %arg4[%add3A_255, %dma_wait3A_263, %dma_wait3A_264] : memref<4096x50x128xf32, #tpu.memory_space<hbm>> -> memref<1x50x128xf32, #tpu.memory_space<hbm>>
    %dma_wait3A_266 = tpu.memref_squeeze %dma_wait3A_265 : memref<1x50x128xf32, #tpu.memory_space<hbm>> -> memref<50x128xf32, #tpu.memory_space<hbm>>
    %dma_wait3A_267 = arith.constant 0 : i32
    %dma_wait3A_268 = arith.constant 0 : i32
    %dma_wait3A_269 = tpu.memref_slice %arg8[%dma_wait3A_267, %dma_wait3A_268] : memref<112x128xf32, #tpu.memory_space<vmem>> -> memref<50x128xf32, #tpu.memory_space<vmem>>
    tpu.wait_dma2 semaphore(%arg16 : memref<!tpu.dma_semaphore, #tpu.memory_space<semaphore_mem>>) src(%dma_wait3A_269 : memref<50x128xf32, #tpu.memory_space<vmem>>) dst(%dma_wait3A_266 : memref<50x128xf32, #tpu.memory_space<hbm>>)
    %add3A_270 = arith.constant 1 : i32
    %add3A_271 = arith.addi %add3A_255, %add3A_270 : i32
    %dma_wait3A_272 = arith.constant 56 : i32
    %dma_wait3A_273 = arith.constant 0 : i32
    %dma_wait3A_274 = tpu.memref_slice %arg8[%dma_wait3A_272, %dma_wait3A_273] : memref<112x128xf32, #tpu.memory_space<vmem>> -> memref<50x128xf32, #tpu.memory_space<vmem>>
    %dma_wait3A_275 = arith.constant 0 : i32
    %dma_wait3A_276 = arith.constant 0 : i32
    %dma_wait3A_277 = tpu.memref_slice %arg4[%add3A_271, %dma_wait3A_275, %dma_wait3A_276] : memref<4096x50x128xf32, #tpu.memory_space<hbm>> -> memref<1x50x128xf32, #tpu.memory_space<hbm>>
    %dma_wait3A_278 = tpu.memref_squeeze %dma_wait3A_277 : memref<1x50x128xf32, #tpu.memory_space<hbm>> -> memref<50x128xf32, #tpu.memory_space<hbm>>
    %dma_wait3A_279 = arith.constant 0 : i32
    %dma_wait3A_280 = arith.constant 0 : i32
    %dma_wait3A_281 = tpu.memref_slice %arg4[%add3A_271, %dma_wait3A_279, %dma_wait3A_280] : memref<4096x50x128xf32, #tpu.memory_space<hbm>> -> memref<1x50x128xf32, #tpu.memory_space<hbm>>
    %dma_wait3A_282 = tpu.memref_squeeze %dma_wait3A_281 : memref<1x50x128xf32, #tpu.memory_space<hbm>> -> memref<50x128xf32, #tpu.memory_space<hbm>>
    %dma_wait3A_283 = arith.constant 56 : i32
    %dma_wait3A_284 = arith.constant 0 : i32
    %dma_wait3A_285 = tpu.memref_slice %arg8[%dma_wait3A_283, %dma_wait3A_284] : memref<112x128xf32, #tpu.memory_space<vmem>> -> memref<50x128xf32, #tpu.memory_space<vmem>>
    tpu.wait_dma2 semaphore(%arg20 : memref<!tpu.dma_semaphore, #tpu.memory_space<semaphore_mem>>) src(%dma_wait3A_285 : memref<50x128xf32, #tpu.memory_space<vmem>>) dst(%dma_wait3A_282 : memref<50x128xf32, #tpu.memory_space<hbm>>)
    %add3A_286 = arith.constant 126 : i32
    %add3A_287 = arith.addi %mul3A_2, %add3A_286 : i32
    %dma_wait3A_288 = arith.constant 0 : i32
    %dma_wait3A_289 = arith.constant 0 : i32
    %dma_wait3A_290 = tpu.memref_slice %arg9[%dma_wait3A_288, %dma_wait3A_289] : memref<112x128xf32, #tpu.memory_space<vmem>> -> memref<50x128xf32, #tpu.memory_space<vmem>>
    %dma_wait3A_291 = arith.constant 0 : i32
    %dma_wait3A_292 = arith.constant 0 : i32
    %dma_wait3A_293 = tpu.memref_slice %arg4[%add3A_287, %dma_wait3A_291, %dma_wait3A_292] : memref<4096x50x128xf32, #tpu.memory_space<hbm>> -> memref<1x50x128xf32, #tpu.memory_space<hbm>>
    %dma_wait3A_294 = tpu.memref_squeeze %dma_wait3A_293 : memref<1x50x128xf32, #tpu.memory_space<hbm>> -> memref<50x128xf32, #tpu.memory_space<hbm>>
    %dma_wait3A_295 = arith.constant 0 : i32
    %dma_wait3A_296 = arith.constant 0 : i32
    %dma_wait3A_297 = tpu.memref_slice %arg4[%add3A_287, %dma_wait3A_295, %dma_wait3A_296] : memref<4096x50x128xf32, #tpu.memory_space<hbm>> -> memref<1x50x128xf32, #tpu.memory_space<hbm>>
    %dma_wait3A_298 = tpu.memref_squeeze %dma_wait3A_297 : memref<1x50x128xf32, #tpu.memory_space<hbm>> -> memref<50x128xf32, #tpu.memory_space<hbm>>
    %dma_wait3A_299 = arith.constant 0 : i32
    %dma_wait3A_300 = arith.constant 0 : i32
    %dma_wait3A_301 = tpu.memref_slice %arg9[%dma_wait3A_299, %dma_wait3A_300] : memref<112x128xf32, #tpu.memory_space<vmem>> -> memref<50x128xf32, #tpu.memory_space<vmem>>
    tpu.wait_dma2 semaphore(%arg17 : memref<!tpu.dma_semaphore, #tpu.memory_space<semaphore_mem>>) src(%dma_wait3A_301 : memref<50x128xf32, #tpu.memory_space<vmem>>) dst(%dma_wait3A_298 : memref<50x128xf32, #tpu.memory_space<hbm>>)
    %add3A_302 = arith.constant 1 : i32
    %add3A_303 = arith.addi %add3A_287, %add3A_302 : i32
    %dma_wait3A_304 = arith.constant 56 : i32
    %dma_wait3A_305 = arith.constant 0 : i32
    %dma_wait3A_306 = tpu.memref_slice %arg9[%dma_wait3A_304, %dma_wait3A_305] : memref<112x128xf32, #tpu.memory_space<vmem>> -> memref<50x128xf32, #tpu.memory_space<vmem>>
    %dma_wait3A_307 = arith.constant 0 : i32
    %dma_wait3A_308 = arith.constant 0 : i32
    %dma_wait3A_309 = tpu.memref_slice %arg4[%add3A_303, %dma_wait3A_307, %dma_wait3A_308] : memref<4096x50x128xf32, #tpu.memory_space<hbm>> -> memref<1x50x128xf32, #tpu.memory_space<hbm>>
    %dma_wait3A_310 = tpu.memref_squeeze %dma_wait3A_309 : memref<1x50x128xf32, #tpu.memory_space<hbm>> -> memref<50x128xf32, #tpu.memory_space<hbm>>
    %dma_wait3A_311 = arith.constant 0 : i32
    %dma_wait3A_312 = arith.constant 0 : i32
    %dma_wait3A_313 = tpu.memref_slice %arg4[%add3A_303, %dma_wait3A_311, %dma_wait3A_312] : memref<4096x50x128xf32, #tpu.memory_space<hbm>> -> memref<1x50x128xf32, #tpu.memory_space<hbm>>
    %dma_wait3A_314 = tpu.memref_squeeze %dma_wait3A_313 : memref<1x50x128xf32, #tpu.memory_space<hbm>> -> memref<50x128xf32, #tpu.memory_space<hbm>>
    %dma_wait3A_315 = arith.constant 56 : i32
    %dma_wait3A_316 = arith.constant 0 : i32
    %dma_wait3A_317 = tpu.memref_slice %arg9[%dma_wait3A_315, %dma_wait3A_316] : memref<112x128xf32, #tpu.memory_space<vmem>> -> memref<50x128xf32, #tpu.memory_space<vmem>>
    tpu.wait_dma2 semaphore(%arg21 : memref<!tpu.dma_semaphore, #tpu.memory_space<semaphore_mem>>) src(%dma_wait3A_317 : memref<50x128xf32, #tpu.memory_space<vmem>>) dst(%dma_wait3A_314 : memref<50x128xf32, #tpu.memory_space<hbm>>)
    return
  }
}

</mosaic_0001>

<sc_bundles>
// kernel: kernel.3.cloned.1.call-start
scs
__scs_entry_jumppad:
0x0: {  	(pc) =	sbr.rel $0x88, $3  }
0x1: {  	(tag) =	ssettag $0x0;
	lr =	simm.s32 $0x1  }
0x2: {  	[smem:$0x3F9E] =	sst lr;
	_ =	strace $0xD0000000  }
0x3: {  	_ = 	snop  }
0x4: {  	_ = 	snop  }
0x5: {  	_ = 	snop  }
0x6: {  	_ = 	snop  }
0x7: {  	_ = 	snop  }
__scs_overlays_trampoline_lowered:
0x8: {  	[smem:$0x3FAD] =	sst s0  }
0x9: {  	[smem:$0x3FAE] =	sst s1  }
0xa: {  	[smem:$0x3FAF] =	sst s2  }
0xb: {  	[smem:$0x3FB0] =	sst s3  }
0xc: {  	[smem:$0x3FB1] =	sst s4  }
0xd: {  	[smem:$0x3FB2] =	sst s5  }
0xe: {  	[smem:$0x3FB3] =	sst s6  }
0xf: {  	[smem:$0x3FB4] =	sst s7  }
0x10: {  	[smem:$0x3FB5] =	sst s8  }
0x11: {  	[smem:$0x3FB6] =	sst s9;
	s0 =	simm.s32 @!p0 $0x0  }
0x12: {  	s1 =	sld [smem:$0x3F9C];
	s0 =	simm.s32 @p0 $0x1  }
0x13: {  	[smem:$0x3FB7] =	sst s0;
	s0 =	simm.s32 @!p1 $0x0  }
0x14: {  	s2 =	sld [smem:$0x3F9B];
	s0 =	simm.s32 @p1 $0x1  }
0x15: {  	[smem:$0x3FB8] =	sst s0;
	s0 =	simm.s32 @!p2 $0x0  }
0x16: {  	s3 =	sld [smem:$0x3FDB];
	s0 =	simm.s32 @p2 $0x1  }
0x17: {  	s4 =	simm.s32 $0x1BF5;
	[smem:$0x3FBA] =	sst s0  }
0x18: {  	s0 =	sld [smem:$0x3F9D];
	_ =	swait.ge [sflag:s4], $0x0  }
0x19: {  	s7 =	sld [smem:$0x3F9E]  }
0x1a: {  	s8 =	sadd.s32 $0xFFFFE003, lr  }
0x1b: {  	s9 =	sadd.s32 $0xFFFFFEF7, lr;
	s5 =	simm.s32 $0xFFFFFFFF;
	p2 =	slt.u32 s8, $0xFFFFF086  }
0x1c: {  	p1 =	slt.u32 s9, $0xF7A;
	s5 =	simm.s32 @!p2 $0x0  }
0x1d: {  	s5 =	simm.s32 @p1 $0x1;
	p0 =	seq.s32 s7, s2  }
0x1e: {  	s7 =	smul.u32 @!p0 $0xF7A, s2;
	p2 =	seq.s32 @!p0 s5, $0x0  }
0x1f: {  	s9 =	smul.u32 $0xF7A, s1;
	s8 =	simm.s32 @!p0 $0x1BF5;
	p2 =	por !p2, p0  }
0x20: {  	[sflag:s8] =	ssyncset.s32 @!p0 $0xFFFFF086;
	s6 =	sadd.s32 @!p0 s3, s7;
	s7 =	simm.s32 @!p0 $0x108  }
0x21: {  	s3 =	sadd.s32 s3, s9;
	s6 =	sadd.s32 @!p0 $0x88, s6;
	s7 =	simm.s32 @p2 $0x1082  }
0x22: {  	[simem:s7], [sflag:s8] =	dma.local @!p0 [hbm:s6], $0xF7A  }
0x23: {  	s9 =	sor.u32 $0xD0000000, s2;
	s6 =	simm.s32 $0x108;
	_ =	swait.ge @!p0 [sflag:s8], $0x0  }
0x24: {  	s3 =	sadd.s32 $0x88, s3;
	s6 =	simm.s32 @!p1 $0x1082;
	[sflag:s4] =	ssyncset.s32 $0xFFFFF086  }
0x25: {  	[simem:s6], [sflag:s4] =	dma.local [hbm:s3], $0xF7A  }
0x26: {  	[smem:$0x3F9E] =	sst s1;
	(tag) =	ssettag s2;
	_ =	strace s9  }
0x27: {  	s1 =	sld [smem:$0x3FAE]  }
0x28: {  	s2 =	sld [smem:$0x3FAF]  }
0x29: {  	s4 =	sld [smem:$0x3FB1]  }
0x2a: {  	p0 =	seq.s32 s5, $0x0;
	s5 =	sld [smem:$0x3FB2]  }
0x2b: {  	s6 =	sld [smem:$0x3FB3]  }
0x2c: {  	s7 =	sld [smem:$0x3FB4]  }
0x2d: {  	s3 =	simm.s32 $0x108;
	s8 =	sld [smem:$0x3FB5]  }
0x2e: {  	s3 =	simm.s32 @!p0 $0x1082;
	s9 =	sld [smem:$0x3FB6]  }
0x2f: {  	lr =	sadd.s32 s0, s3;
	s0 =	sld [smem:$0x3FAD]  }
0x30: {  	s3 =	sld [smem:$0x3FB0]  }
0x31: {  	[smem:$0x3FB9] =	sst s10  }
0x32: {  	s10 =	sld [smem:$0x3FB7];
	_ =	sdelay $0x3  }
0x33: {  	p0 =	seq.s32 s10, $0x1;
	s10 =	sld [smem:$0x3FB9];
	_ =	sdelay $0x3  }
0x34: {  	[smem:$0x3FB9] =	sst s10  }
0x35: {  	s10 =	sld [smem:$0x3FB8];
	_ =	sdelay $0x3  }
0x36: {  	p1 =	seq.s32 s10, $0x1;
	s10 =	sld [smem:$0x3FB9];
	_ =	sdelay $0x3  }
0x37: {  	[smem:$0x3FB9] =	sst s10  }
0x38: {  	s10 =	sld [smem:$0x3FBA]  }
0x39: {  	_ = 	snop;
	(pc) =	sbr.ind lr, $3  }
0x3a: {  	_ = 	snop  }
0x3b: {  	_ = 	snop  }
0x3c: {  	p2 =	seq.s32 s10, $0x1;
	s10 =	sld [smem:$0x3FB9]  }
0x3d: {  	_ =	shalt  }
0x3e: {  	_ =	shalt  }
0x3f: {  	_ =	shalt  }
0x40: {  	_ =	shalt  }
0x41: {  	_ =	shalt  }
0x42: {  	_ =	shalt  }
0x43: {  	_ =	shalt  }
0x44: {  	_ =	shalt  }
0x45: {  	_ =	shalt  }
0x46: {  	_ =	shalt  }
0x47: {  	_ =	shalt  }
0x48: {  	_ =	shalt  }
0x49: {  	_ =	shalt  }
0x4a: {  	_ =	shalt  }
0x4b: {  	_ =	shalt  }
0x4c: {  	_ =	shalt  }
0x4d: {  	_ =	shalt  }
0x4e: {  	_ =	shalt  }
0x4f: {  	_ =	shalt  }
0x50: {  	_ =	shalt  }
0x51: {  	_ =	shalt  }
0x52: {  	_ =	shalt  }
0x53: {  	_ =	shalt  }
0x54: {  	_ =	shalt  }
0x55: {  	_ =	shalt  }
0x56: {  	_ =	shalt  }
0x57: {  	_ =	shalt  }
0x58: {  	_ =	shalt  }
0x59: {  	_ =	shalt  }
0x5a: {  	_ =	shalt  }
0x5b: {  	_ =	shalt  }
0x5c: {  	_ =	shalt  }
0x5d: {  	_ =	shalt  }
0x5e: {  	_ =	shalt  }
0x5f: {  	_ =	shalt  }
0x60: {  	_ =	shalt  }
0x61: {  	_ =	shalt  }
0x62: {  	_ =	shalt  }
0x63: {  	_ =	shalt  }
0x64: {  	_ =	shalt  }
0x65: {  	_ =	shalt  }
0x66: {  	_ =	shalt  }
0x67: {  	_ =	shalt  }
0x68: {  	_ =	shalt  }
0x69: {  	_ =	shalt  }
0x6a: {  	_ =	shalt  }
0x6b: {  	_ =	shalt  }
0x6c: {  	_ =	shalt  }
0x6d: {  	_ =	shalt  }
0x6e: {  	_ =	shalt  }
0x6f: {  	_ =	shalt  }
0x70: {  	_ =	shalt  }
0x71: {  	_ =	shalt  }
0x72: {  	_ =	shalt  }
0x73: {  	_ =	shalt  }
0x74: {  	_ =	shalt  }
0x75: {  	_ =	shalt  }
0x76: {  	_ =	shalt  }
0x77: {  	_ =	shalt  }
0x78: {  	_ =	shalt  }
0x79: {  	_ =	shalt  }
0x7a: {  	_ =	shalt  }
0x7b: {  	_ =	shalt  }
0x7c: {  	_ =	shalt  }
0x7d: {  	_ =	shalt  }
0x7e: {  	_ =	shalt  }
0x7f: {  	_ =	shalt  }
0x80: {  	_ =	shalt  }
0x81: {  	_ =	shalt  }
0x82: {  	_ =	shalt  }
0x83: {  	_ =	shalt  }
0x84: {  	_ =	shalt  }
0x85: {  	_ =	shalt  }
0x86: {  	_ =	shalt  }
0x87: {  	_ =	shalt  }
.Lfunc_end0:
.L_simem_size_0:
called_computation_lowered:
.L_overlay_start_0:
0x88: {  	s2 =	sld [smem:$0x3FD9]  }
0x89: {  	s3 =	sld [smem:$0x3FFE];
	_ =	sdelay $0x1  }
0x8a: {  	s1 =	srdreg.scid  }
0x8b: {  	s0 =	sand.u32 $0x1, s1  }
0x8c: {  	s16 =	sshll.u32 s0, $0xA;
	s2 =	sadd.s32 s3, s2  }
0x8d: {  	s2 =	sadd.s32 s2, s16  }
0x8e: {  	[smem:$0x3FC5] =	sst s2  }
0x8f: {  	_ = 	snop  }
0x90: {  	(tm) =	ssettm $0x1  }
0x91: {  	s17 =	sld [smem:$0x3FFB];
	_ =	sdelay $0x3  }
0x92: {  	_ =	strace s17  }
0x93: {  	s2 =	sld [smem:$0x3FFC];
	_ =	sdelay $0x3  }
0x94: {  	_ =	strace s2  }
0x95: {  	s2 =	sld [smem:$0x3FFD];
	_ =	sdelay $0x3  }
0x96: {  	_ =	strace s2  }
0x97: {  	_ =	strace $0x8FFFFFFF  }
0x98: {  	s18 =	sld [smem:$0x3FDB];
	_ =	sdelay $0x1  }
0x99: {  	s19 =	simm.s32 $_scs_section_size  }
0x9a: {  	s4 =	simm.s32 $_size__tile_overlayer_lowered;
	s5 =	simm.s32 $_tile_overlayer_lowered  }
0x9b: {  	s22 =	simm.s32 $0x1BFF;
	s21 =	sshll.u32 s5, $0x1;
	s2 =	sadd.s32 s19, s18  }
0x9c: {  	s6 =	simm.s32 $0x0;
	s20 =	sshll.u32 s4, $0x1;
	s4 =	sadd.s32 s21, s2  }
0x9d: {  	[timem:s6], [sflag:s22] =	dma.local [hbm:s4], s20  }
0x9e: {  	_ =	swait.ge [sflag:s22], s20  }
0x9f: {  	s3 =	ssub.s32 $0x0, s20;
	[sflag:s22] =	ssyncset.done $0x0  }
0xa0: {  	[sflag:s22] =	ssyncadd.s32 s3;
	_ =	sdelay $0x1  }
0xa1: {  	s23 =	simm.s32 $0x1B8B  }
0xa2: {  	_ =	swait.ge [sflag:s23], $0x1  }
0xa3: {  	[sflag:s23] =	ssyncset.done $0x0  }
0xa4: {  	s25 =	simm.s32 $0x1B8E;
	s24 =	sld [smem:$0x3FFE];
	[sflag:s23] =	ssyncadd.s32 $0xFFFFFFFF  }
0xa5: {  	s26 =	simm.s32 $execute0_lowered;
	[smem:$0x3FD2] =	sst s25  }
0xa6: {  	s4 =	sshll.u32 s26, $0x1;
	_ =	strace $0x80000046;
	[dreg:$0x1] =	wrdreg $0xFFFFFFFF  }
0xa7: {  	s28 =	simm.s32 $_size_execute0_lowered;
	s2 =	sadd.s32 s2, s4;
	[dreg:$0x0] =	wrdreg $0x0  }
0xa8: {  	s4 =	sshll.u32 s28, $0x1;
	[dreg:$0x2] =	wrdreg s2  }
0xa9: {  	[dreg:$0x3] =	wrdreg s4  }
0xaa: {  	[dreg:$0x4] =	wrdreg $0xC0  }
0xab: {  	_ =	task [dreg:s6], $0x5FFFF  }
0xac: {  	[dreg:$0x1] =	wrdreg $0xFFFFFFFF  }
0xad: {  	[dreg:$0x0] =	wrdreg $0x60  }
0xae: {  	[dreg:$0x2] =	wrdreg s24  }
0xaf: {  	[dreg:$0x3] =	wrdreg $0x9  }
0xb0: {  	_ =	task.clear_ibuf [dreg:s6], $0x4FFFF;
	_ =	strace $0x90000046  }
0xb1: {  	s29 =	simm.s32 $0x9;
	_ =	strace $0x80000048  }
0xb2: {  	_ =	swait.ge [sflag:s29], $0x1  }
0xb3: {  	[sflag:s29] =	ssyncadd.s32 $0xFFFFFFFF  }
0xb4: {  	_ =	strace $0x90000048  }
0xb5: {  	_ =	sfence  }
0xb6: {  	s30 =	sld [smem:$0x0];
	_ =	sdelay $0x2  }
0xb7: {  	s31 =	sshll.u32 s1, $0xD;
	s1 =	sshrl.u32 s1, $0x2  }
0xb8: {  	s3 =	sand.u32 $0x4000, s31;
	s1 =	sadd.s32 s1, s30  }
0xb9: {  	s0 =	sor.u32 s3, s0;
	s1 =	sshll.u32 s1, $0x11  }
0xba: {  	s0 =	sor.u32 s1, s0  }
0xbb: {  	s0 =	sadd.s32 $0x8F2B, s0  }
0xbc: {  	[sflag:s0] =	ssyncadd.remote.s32 $0x1  }
0xbd: {  	_ =	sfence.sel $0xFFFF  }
0xbe: {  	[dreg:$0x0] =	wrdreg $0xFFFFFFFF;
	(pc) =	sbr.abs _section_cstart, $3  }
0xbf: {  	[dreg:$0x1] =	wrdreg $0xFFFFFFFF  }
0xc0: {  	_ =	task.clear_ibuf [dreg:s6], $0x2FFFF;
	_ =	strace $0x9FFFFFFF  }
0xc1: {  	(tm) =	ssettm $0x7FFFFFFF  }
tec
execute0_lowered:
.L_overlay_start_1:
0x0: {  	(tag) =	ssettag $0x1  }
0x1: {  	s0 =	srdreg.scid  }
0x2: {  	s9 =	stileid.u32;
	s1 =	rddreg [dreg:$0x0]  }
0x3: {  	s2 =	simm.s32 $0x0;
	s28 =	simm.s32 $0x3;
	s29 =	simm.s32 $0xAC00  }
0x4: {  	s30 =	simm.s32 $0x4;
	s31 =	simm.s32 $0xE400;
	s8 =	smul.u32 $0x1C0000, s9  }
0x5: {  	s0 =	sand.u32 $0x1, s0;
	s3 =	sshll.u32 s9, $0x1;
	s19 =	smul.u32 $0x38000, s9  }
0x6: {  	[smem:$0x7FF] =	sst s2;
	s3 =	sor.u32 s0, s3;
	s26 =	smul.u32 $0xE0000, s0  }
0x7: {  	_ =	strace $0x80000047;
	s6 =	ssub.s32 $0x2, s0;
	s0 =	smul.u32 $0x1C000, s0  }
0x8: {  	s4 =	sshll.u32 s3, $0xA;
	s5 =	smul.u32 $0xE0000, s3;
	s3 =	sadd.s32 $0x190C00, s1  }
0x9: {  	s7 =	sshrl.u32 s6, $0x1;
	s4 =	sadd.s32 s4, s1;
	s1 =	sadd.s32 $0x317800, s1  }
0xa: {  	s6 =	ssub.s32 s6, s7;
	s14 =	sadd.s32 s26, s8;
	s5 =	sshrl.u32 s5, $0x3  }
0xb: {  	s4 =	sadd.s32 $0x2000, s4;
	s17 =	sor.u32 $0xC400, s14;
	s21 =	sadd.s32 s19, s1  }
0xc: {  	s22 =	sor.u32 $0x8C00, s14;
	s25 =	smax.u32 s6, $0x1;
	s19 =	simm.s32 $0xA  }
0xd: {  	s6 =	simm.s32 $0xC;
	s5 =	sadd.s32 s1, s5;
	[dreg:$0x6] =	wrdreg s4  }
0xe: {  	s7 =	sshrl.u32 s17, $0x3;
	s0 =	sadd.s32 s0, s21;
	[dreg:$0xf] =	wrdreg s25  }
0xf: {  	s23 =	sshrl.u32 s22, $0x3;
	s10 =	sadd.s32 $0x1A400, s5;
	[dreg:$0x3] =	wrdreg s0  }
0x10: {  	s4 =	sor.u32 $0x5400, s14;
	s11 =	sadd.s32 $0x1A780, s5;
	[dreg:$0x7] =	wrdreg s10  }
0x11: {  	s22 =	simm.s32 $0xC800;
	s12 =	sadd.s32 $0x1AB00, s5;
	[dreg:$0x8] =	wrdreg s11  }
0x12: {  	s25 =	simm.s32 $0x2;
	s13 =	sadd.s32 $0x1AE80, s5;
	[dreg:$0x9] =	wrdreg s12  }
0x13: {  	s17 =	simm.s32 $0x6;
	s15 =	sadd.s32 $0x1B200, s5;
	[dreg:$0xa] =	wrdreg s13  }
0x14: {  	s21 =	simm.s32 $0x7;
	s16 =	sadd.s32 $0x1B580, s5;
	[dreg:$0xb] =	wrdreg s15  }
0x15: {  	s18 =	sadd.s32 $0x1B900, s5;
	s5 =	sadd.s32 $0x1BC80, s5;
	[dreg:$0xc] =	wrdreg s16  }
0x16: {  	s20 =	sadd.s32 s7, s1;
	s24 =	sadd.s32 s23, s1;
	[dreg:$0xd] =	wrdreg s18  }
0x17: {  	s4 =	sshrl.u32 s4, $0x3;
	s23 =	simm.s32 $0x1;
	[dreg:$0xe] =	wrdreg s5  }
0x18: {  	s0 =	simm.s32 $0x9;
	s7 =	simm.s32 $0x0;
	[dreg:$0x2] =	wrdreg s20  }
0x19: {  	[dreg:$0x4] =	wrdreg s24;
	s26 =	sadd.s32 s4, s1;
	s15 =	simm.s32 $0x70  }
0x1a: {  	s16 =	simm.s32 $0x2000;
	s18 =	simm.s32 $0x5800;
	s20 =	simm.s32 $0x9000  }
0x1b: {  	s24 =	simm.s32 $0x3C00;
	s1 =	simm.s32 $0x5;
	s4 =	simm.s32 $0xB  }
0x1c: {  	s5 =	simm.s32 $0x8;
	[dreg:$0x5] =	wrdreg s26;
	s26 =	simm.s32 $0x7400  }
.LBB2_1:
0x1d: {  	s8 =	rddreg [dreg:$0x6];
	s13 =	simm.s32 $0xD  }
0x1e: {  	[tilespmem:s2], [sflag:$0xD] =	stream.linear.gather [hbm4b:s8+s2], $0x2000, $0x38;
	[tilespmem:$0x10000] =	vst v63  }
0x1f: {  	_ =	swait.ge [sflag:s13], $0x2000  }
0x20: {  	[sflag:s13] =	ssyncset.done $0x0  }
0x21: {  	[sflag:s13] =	ssyncadd.s32 $0xFFFFE000  }
0x22: {  	[tilespmem:s16], [sflag:$0x1] =	stream.indirect.gather [hbm4b:s3+s15], $0x80, s2, s15, $0xb8;
	[tilespmem:$0x10000] =	vst v63  }
0x23: {  	s14 =	simm.s32 $0x80  }
0x24: {  	[tilespmem:s18], [sflag:$0x2] =	stream.indirect.gather [hbm4b:s3+s15], $0x80, s14, s15, $0xb8;
	[tilespmem:$0x10000] =	vst v63  }
0x25: {  	s9 =	simm.s32 $0x100  }
0x26: {  	[tilespmem:s20], [sflag:$0x3] =	stream.indirect.gather [hbm4b:s3+s15], $0x80, s9, s15, $0xb8;
	[tilespmem:$0x10000] =	vst v63  }
0x27: {  	s10 =	simm.s32 $0x180  }
0x28: {  	[tilespmem:s22], [sflag:$0x4] =	stream.indirect.gather [hbm4b:s3+s15], $0x80, s10, s15, $0xb8;
	[tilespmem:$0x10000] =	vst v63  }
0x29: {  	_ =	swait.ge [sflag:s23], $0x3800  }
0x2a: {  	s11 =	rddreg [dreg:$0x3];
	[sflag:s23] =	ssyncset.done $0x0  }
0x2b: {  	[sflag:s23] =	ssyncadd.s32 $0xFFFFC800;
	s8 =	sadd.s32 $0x0, s11  }
0x2c: {  	[hbm4b:s8+s2] =	stream.linear.scatter [tilespmem:s16], [sflag:$0x5], $0x1900, $0x38;
	[tilespmem:$0x10000] =	vst v63  }
0x2d: {  	s9 =	sadd.s32 $0x380, s8  }
0x2e: {  	[hbm4b:s9+s2] =	stream.linear.scatter [tilespmem:s24], [sflag:$0x9], $0x1900, $0x38;
	[tilespmem:$0x10000] =	vst v63  }
0x2f: {  	_ =	swait.ge [sflag:s25], $0x3800  }
0x30: {  	[sflag:s25] =	ssyncset.done $0x0  }
0x31: {  	s10 =	sadd.s32 $0x700, s8;
	s12 =	rddreg [dreg:$0x5];
	[sflag:s25] =	ssyncadd.s32 $0xFFFFC800  }
0x32: {  	[hbm4b:s10+s2] =	stream.linear.scatter [tilespmem:s18], [sflag:$0x6], $0x1900, $0x38;
	[tilespmem:$0x10000] =	vst v63  }
0x33: {  	s9 =	sadd.s32 $0x0, s12  }
0x34: {  	[hbm4b:s9+s2] =	stream.linear.scatter [tilespmem:s26], [sflag:$0xA], $0x1900, $0x38;
	[tilespmem:$0x10000] =	vst v63  }
0x35: {  	_ =	swait.ge [sflag:s28], $0x3800  }
0x36: {  	[sflag:s28] =	ssyncset.done $0x0  }
0x37: {  	s14 =	sadd.s32 $0xE00, s8;
	s13 =	rddreg [dreg:$0x4];
	[sflag:s28] =	ssyncadd.s32 $0xFFFFC800  }
0x38: {  	[hbm4b:s14+s2] =	stream.linear.scatter [tilespmem:s20], [sflag:$0x7], $0x1900, $0x38;
	[tilespmem:$0x10000] =	vst v63  }
0x39: {  	s9 =	sadd.s32 $0x0, s13  }
0x3a: {  	[hbm4b:s9+s2] =	stream.linear.scatter [tilespmem:s29], [sflag:$0xB], $0x1900, $0x38;
	[tilespmem:$0x10000] =	vst v63  }
0x3b: {  	_ =	swait.ge [sflag:s30], $0x3800  }
0x3c: {  	[sflag:s30] =	ssyncset.done $0x0  }
0x3d: {  	s8 =	sadd.s32 $0x1500, s8;
	s10 =	rddreg [dreg:$0x2];
	[sflag:s30] =	ssyncadd.s32 $0xFFFFC800  }
0x3e: {  	[hbm4b:s8+s2] =	stream.linear.scatter [tilespmem:s22], [sflag:$0x8], $0x1900, $0x38;
	[tilespmem:$0x10000] =	vst v63  }
0x3f: {  	s11 =	sadd.s32 $0x0, s10  }
0x40: {  	[hbm4b:s11+s2] =	stream.linear.scatter [tilespmem:s31], [sflag:$0xC], $0x1900, $0x38;
	[tilespmem:$0x10000] =	vst v63  }
0x41: {  	_ =	swait.ge [sflag:s1], $0x1900  }
0x42: {  	[sflag:s1] =	ssyncset.done $0x0  }
0x43: {  	[sflag:s1] =	ssyncadd.s32 $0xFFFFE700  }
0x44: {  	_ =	swait.ge [sflag:s0], $0x1900  }
0x45: {  	[sflag:s0] =	ssyncset.done $0x0  }
0x46: {  	s12 =	simm.s32 $0x200;
	[sflag:s0] =	ssyncadd.s32 $0xFFFFE700  }
0x47: {  	[tilespmem:s16], [sflag:$0x1] =	stream.indirect.gather [hbm4b:s3+s15], $0x80, s12, s15, $0xb8;
	[tilespmem:$0x10000] =	vst v63  }
0x48: {  	_ =	swait.ge [sflag:s17], $0x1900  }
0x49: {  	[sflag:s17] =	ssyncset.done $0x0  }
0x4a: {  	[sflag:s17] =	ssyncadd.s32 $0xFFFFE700  }
0x4b: {  	_ =	swait.ge [sflag:s19], $0x1900  }
0x4c: {  	[sflag:s19] =	ssyncset.done $0x0  }
0x4d: {  	s13 =	simm.s32 $0x280;
	[sflag:s19] =	ssyncadd.s32 $0xFFFFE700  }
0x4e: {  	[tilespmem:s18], [sflag:$0x2] =	stream.indirect.gather [hbm4b:s3+s15], $0x80, s13, s15, $0xb8;
	[tilespmem:$0x10000] =	vst v63  }
0x4f: {  	_ =	swait.ge [sflag:s21], $0x1900  }
0x50: {  	[sflag:s21] =	ssyncset.done $0x0  }
0x51: {  	[sflag:s21] =	ssyncadd.s32 $0xFFFFE700  }
0x52: {  	_ =	swait.ge [sflag:s4], $0x1900  }
0x53: {  	[sflag:s4] =	ssyncset.done $0x0  }
0x54: {  	s14 =	simm.s32 $0x300;
	[sflag:s4] =	ssyncadd.s32 $0xFFFFE700  }
0x55: {  	[tilespmem:s20], [sflag:$0x3] =	stream.indirect.gather [hbm4b:s3+s15], $0x80, s14, s15, $0xb8;
	[tilespmem:$0x10000] =	vst v63  }
0x56: {  	_ =	swait.ge [sflag:s5], $0x1900  }
0x57: {  	[sflag:s5] =	ssyncset.done $0x0  }
0x58: {  	[sflag:s5] =	ssyncadd.s32 $0xFFFFE700  }
0x59: {  	_ =	swait.ge [sflag:s6], $0x1900  }
0x5a: {  	s9 =	simm.s32 $0x1C00;
	[sflag:s6] =	ssyncset.done $0x0  }
0x5b: {  	s10 =	simm.s32 $0x580;
	s8 =	simm.s32 $0x380;
	[sflag:s6] =	ssyncadd.s32 $0xFFFFE700  }
.LBB2_2:
0x5c: {  	[tilespmem:s22], [sflag:$0x4] =	stream.indirect.gather [hbm4b:s3+s15], $0x80, s8, s15, $0xb8;
	[tilespmem:$0x10000] =	vst v63  }
0x5d: {  	_ =	swait.ge [sflag:s23], $0x3800  }
0x5e: {  	s11 =	smov.u32 s9;
	s12 =	rddreg [dreg:$0x3];
	[sflag:s23] =	ssyncset.done $0x0  }
0x5f: {  	[sflag:s23] =	ssyncadd.s32 $0xFFFFC800;
	s12 =	sadd.s32 s11, s12  }
0x60: {  	[hbm4b:s12+s2] =	stream.linear.scatter [tilespmem:s16], [sflag:$0x5], $0x1900, $0x38;
	[tilespmem:$0x10000] =	vst v63  }
0x61: {  	s13 =	sadd.s32 $0x380, s12  }
0x62: {  	[hbm4b:s13+s2] =	stream.linear.scatter [tilespmem:s24], [sflag:$0x9], $0x1900, $0x38;
	[tilespmem:$0x10000] =	vst v63  }
0x63: {  	_ =	swait.ge [sflag:s25], $0x3800  }
0x64: {  	[sflag:s25] =	ssyncset.done $0x0  }
0x65: {  	s14 =	sadd.s32 $0x700, s12;
	s13 =	rddreg [dreg:$0x5];
	[sflag:s25] =	ssyncadd.s32 $0xFFFFC800  }
0x66: {  	[hbm4b:s14+s2] =	stream.linear.scatter [tilespmem:s18], [sflag:$0x6], $0x1900, $0x38;
	[tilespmem:$0x10000] =	vst v63  }
0x67: {  	s13 =	sadd.s32 s11, s13  }
0x68: {  	[hbm4b:s13+s2] =	stream.linear.scatter [tilespmem:s26], [sflag:$0xA], $0x1900, $0x38;
	[tilespmem:$0x10000] =	vst v63  }
0x69: {  	_ =	swait.ge [sflag:s28], $0x3800  }
0x6a: {  	[sflag:s28] =	ssyncset.done $0x0  }
0x6b: {  	s14 =	sadd.s32 $0xE00, s12;
	s13 =	rddreg [dreg:$0x4];
	[sflag:s28] =	ssyncadd.s32 $0xFFFFC800  }
0x6c: {  	[hbm4b:s14+s2] =	stream.linear.scatter [tilespmem:s20], [sflag:$0x7], $0x1900, $0x38;
	[tilespmem:$0x10000] =	vst v63  }
0x6d: {  	s13 =	sadd.s32 s11, s13  }
0x6e: {  	[hbm4b:s13+s2] =	stream.linear.scatter [tilespmem:s29], [sflag:$0xB], $0x1900, $0x38;
	[tilespmem:$0x10000] =	vst v63  }
0x6f: {  	_ =	swait.ge [sflag:s30], $0x3800  }
0x70: {  	[sflag:s30] =	ssyncset.done $0x0  }
0x71: {  	s12 =	sadd.s32 $0x1500, s12;
	s14 =	rddreg [dreg:$0x2];
	[sflag:s30] =	ssyncadd.s32 $0xFFFFC800  }
0x72: {  	[hbm4b:s12+s2] =	stream.linear.scatter [tilespmem:s22], [sflag:$0x8], $0x1900, $0x38;
	[tilespmem:$0x10000] =	vst v63  }
0x73: {  	s11 =	sadd.s32 s11, s14  }
0x74: {  	[hbm4b:s11+s2] =	stream.linear.scatter [tilespmem:s31], [sflag:$0xC], $0x1900, $0x38;
	[tilespmem:$0x10000] =	vst v63  }
0x75: {  	_ =	swait.ge [sflag:s1], $0x1900  }
0x76: {  	[sflag:s1] =	ssyncset.done $0x0  }
0x77: {  	[sflag:s1] =	ssyncadd.s32 $0xFFFFE700  }
0x78: {  	_ =	swait.ge [sflag:s0], $0x1900  }
0x79: {  	[sflag:s0] =	ssyncset.done $0x0  }
0x7a: {  	s12 =	sadd.s32 $0xFFFFFE80, s10;
	[sflag:s0] =	ssyncadd.s32 $0xFFFFE700  }
0x7b: {  	[tilespmem:s16], [sflag:$0x1] =	stream.indirect.gather [hbm4b:s3+s15], $0x80, s12, s15, $0xb8;
	[tilespmem:$0x10000] =	vst v63  }
0x7c: {  	_ =	swait.ge [sflag:s17], $0x1900  }
0x7d: {  	[sflag:s17] =	ssyncset.done $0x0  }
0x7e: {  	[sflag:s17] =	ssyncadd.s32 $0xFFFFE700  }
0x7f: {  	_ =	swait.ge [sflag:s19], $0x1900  }
0x80: {  	[sflag:s19] =	ssyncset.done $0x0  }
0x81: {  	s13 =	sadd.s32 $0xFFFFFF00, s10;
	[sflag:s19] =	ssyncadd.s32 $0xFFFFE700  }
0x82: {  	[tilespmem:s18], [sflag:$0x2] =	stream.indirect.gather [hbm4b:s3+s15], $0x80, s13, s15, $0xb8;
	[tilespmem:$0x10000] =	vst v63  }
0x83: {  	_ =	swait.ge [sflag:s21], $0x1900  }
0x84: {  	[sflag:s21] =	ssyncset.done $0x0  }
0x85: {  	[sflag:s21] =	ssyncadd.s32 $0xFFFFE700  }
0x86: {  	_ =	swait.ge [sflag:s4], $0x1900  }
0x87: {  	[sflag:s4] =	ssyncset.done $0x0  }
0x88: {  	s14 =	sadd.s32 $0xFFFFFF80, s10;
	[sflag:s4] =	ssyncadd.s32 $0xFFFFE700  }
0x89: {  	[tilespmem:s20], [sflag:$0x3] =	stream.indirect.gather [hbm4b:s3+s15], $0x80, s14, s15, $0xb8;
	[tilespmem:$0x10000] =	vst v63  }
0x8a: {  	p0 =	sne.s32 s9, $0x18800;
	_ =	swait.ge [sflag:s5], $0x1900  }
.Ltmp0:
0x8b: {  	[sflag:s5] =	ssyncset.done $0x0;
	(pc) =	sbr.rel @p0 .LBB2_2-.Ltmp0, $4  }
0x8c: {  	[sflag:s5] =	ssyncadd.s32 $0xFFFFE700  }
0x8d: {  	_ =	swait.ge [sflag:s6], $0x1900  }
0x8e: {  	s8 =	smov.u32 s10;
	[sflag:s6] =	ssyncset.done $0x0  }
0x8f: {  	s9 =	sadd.s32 $0x1C00, s9;
	s10 =	sadd.s32 $0x200, s10;
	[sflag:s6] =	ssyncadd.s32 $0xFFFFE700  }
0x90: {  	[tilespmem:s22], [sflag:$0x4] =	stream.indirect.gather [hbm4b:s3+s15], $0x80, s8, s15, $0xb8;
	[tilespmem:$0x10000] =	vst v63  }
0x91: {  	_ =	swait.ge [sflag:s23], $0x3800  }
0x92: {  	[sflag:s23] =	ssyncset.done $0x0  }
0x93: {  	s12 =	rddreg [dreg:$0x7];
	[sflag:s23] =	ssyncadd.s32 $0xFFFFC800  }
0x94: {  	[hbm4b:s12+s2] =	stream.linear.scatter [tilespmem:s16], [sflag:$0x5], $0x1900, $0x38;
	[tilespmem:$0x10000] =	vst v63  }
0x95: {  	s13 =	rddreg [dreg:$0x8]  }
0x96: {  	[hbm4b:s13+s2] =	stream.linear.scatter [tilespmem:s24], [sflag:$0x9], $0x1900, $0x38;
	[tilespmem:$0x10000] =	vst v63  }
0x97: {  	_ =	swait.ge [sflag:s25], $0x3800  }
0x98: {  	[sflag:s25] =	ssyncset.done $0x0  }
0x99: {  	s14 =	rddreg [dreg:$0x9];
	[sflag:s25] =	ssyncadd.s32 $0xFFFFC800  }
0x9a: {  	[hbm4b:s14+s2] =	stream.linear.scatter [tilespmem:s18], [sflag:$0x6], $0x1900, $0x38;
	[tilespmem:$0x10000] =	vst v63  }
0x9b: {  	s9 =	rddreg [dreg:$0xa]  }
0x9c: {  	[hbm4b:s9+s2] =	stream.linear.scatter [tilespmem:s26], [sflag:$0xA], $0x1900, $0x38;
	[tilespmem:$0x10000] =	vst v63  }
0x9d: {  	_ =	swait.ge [sflag:s28], $0x3800  }
0x9e: {  	[sflag:s28] =	ssyncset.done $0x0  }
0x9f: {  	s10 =	rddreg [dreg:$0xb];
	[sflag:s28] =	ssyncadd.s32 $0xFFFFC800  }
0xa0: {  	[hbm4b:s10+s2] =	stream.linear.scatter [tilespmem:s20], [sflag:$0x7], $0x1900, $0x38;
	[tilespmem:$0x10000] =	vst v63  }
0xa1: {  	s11 =	rddreg [dreg:$0xc]  }
0xa2: {  	[hbm4b:s11+s2] =	stream.linear.scatter [tilespmem:s29], [sflag:$0xB], $0x1900, $0x38;
	[tilespmem:$0x10000] =	vst v63  }
0xa3: {  	_ =	swait.ge [sflag:s30], $0x3800  }
0xa4: {  	[sflag:s30] =	ssyncset.done $0x0  }
0xa5: {  	s12 =	rddreg [dreg:$0xd];
	[sflag:s30] =	ssyncadd.s32 $0xFFFFC800  }
0xa6: {  	[hbm4b:s12+s2] =	stream.linear.scatter [tilespmem:s22], [sflag:$0x8], $0x1900, $0x38;
	[tilespmem:$0x10000] =	vst v63  }
0xa7: {  	s13 =	rddreg [dreg:$0xe]  }
0xa8: {  	[hbm4b:s13+s2] =	stream.linear.scatter [tilespmem:s31], [sflag:$0xC], $0x1900, $0x38;
	[tilespmem:$0x10000] =	vst v63  }
0xa9: {  	_ =	swait.ge [sflag:s1], $0x1900  }
0xaa: {  	[sflag:s1] =	ssyncset.done $0x0  }
0xab: {  	[sflag:s1] =	ssyncadd.s32 $0xFFFFE700  }
0xac: {  	_ =	swait.ge [sflag:s0], $0x1900  }
0xad: {  	[sflag:s0] =	ssyncset.done $0x0  }
0xae: {  	[sflag:s0] =	ssyncadd.s32 $0xFFFFE700  }
0xaf: {  	_ =	swait.ge [sflag:s17], $0x1900  }
0xb0: {  	[sflag:s17] =	ssyncset.done $0x0  }
0xb1: {  	[sflag:s17] =	ssyncadd.s32 $0xFFFFE700  }
0xb2: {  	_ =	swait.ge [sflag:s19], $0x1900  }
0xb3: {  	[sflag:s19] =	ssyncset.done $0x0  }
0xb4: {  	[sflag:s19] =	ssyncadd.s32 $0xFFFFE700  }
0xb5: {  	_ =	swait.ge [sflag:s21], $0x1900  }
0xb6: {  	[sflag:s21] =	ssyncset.done $0x0  }
0xb7: {  	[sflag:s21] =	ssyncadd.s32 $0xFFFFE700  }
0xb8: {  	_ =	swait.ge [sflag:s4], $0x1900  }
0xb9: {  	[sflag:s4] =	ssyncset.done $0x0  }
0xba: {  	[sflag:s4] =	ssyncadd.s32 $0xFFFFE700  }
0xbb: {  	_ =	swait.ge [sflag:s5], $0x1900  }
0xbc: {  	[sflag:s5] =	ssyncset.done $0x0  }
0xbd: {  	[sflag:s5] =	ssyncadd.s32 $0xFFFFE700  }
0xbe: {  	_ =	swait.ge [sflag:s6], $0x1900  }
0xbf: {  	s7 =	sadd.s32 $0x1, s7;
	s14 =	rddreg [dreg:$0xf]  }
0xc0: {  	p0 =	sne.s32 s7, s14  }
.Ltmp1:
0xc1: {  	_ = 	snop;
	(pc) =	sbr.rel @p0 .LBB2_1-.Ltmp1, $3  }
0xc2: {  	_ =	sdelay $0x1  }
0xc3: {  	[sflag:s6] =	ssyncset.done $0x0  }
0xc4: {  	[sflag:s6] =	ssyncadd.s32 $0xFFFFE700  }
0xc5: {  	_ =	sfence.sel $0x180000  }
0xc6: {  	[bflag:$0x0] =	sbarrier.arrive $0xFFFF  }
0xc7: {  	_ =	strace $0x90000047  }
0xc8: {  	s0 =	stileid.u32;
	[bflag:$0x2] =	sbarrier.arrive $0xFFFF  }
0xc9: {  	p0 =	sne.s32 s0, $0x0;
	s0 =	rddreg [dreg:$0x1]  }
0xca: {  	s0 =	sadd.s32 @!p0 $0x100000, s0  }
0xcb: {  	[sflag:s0] =	ssyncadd.tile.s32 @!p0 $0x1;
	_ =	shalt  }
.Lfunc_end2:
_tile_overlayer_lowered:
.L_overlay_start_2:
0xcc: {  	(tag) =	ssettag $0x2  }
0xcd: {  	s0 =	rddreg [dreg:$0x0];
	s2 =	stileid.u32  }
0xce: {  	s1 =	rddreg [dreg:$0x1];
	p0 =	sne.s32 s2, $0x0  }
0xcf: {  	s3 =	rddreg [dreg:$0x2];
	[bflag:$0x3] =	sbarrier.arrive $0xFFFF;
	s2 =	simm.s32 @!p0 $0x1C0D  }
0xd0: {  	[timem:s3], [sflag:s2] =	dma.local @!p0 [hbm:s0], s1  }
0xd1: {  	s0 =	simm.s32 @!p0 $0xD  }
0xd2: {  	_ =	swait.ge @!p0 [sflag:s0], s1  }
0xd3: {  	s1 =	ssub.s32 @!p0 $0x0, s1;
	[sflag:s0] =	ssyncset.done @!p0 $0x0  }
0xd4: {  	[sflag:s0] =	ssyncadd.s32 @!p0 s1  }
0xd5: {  	[bflag:$0x3] =	sbarrier.arrive $0xFFFF  }
0xd6: {  	_ =	shalt  }

</sc_bundles>
